<compile_context>
chip_gen: v7x
topology: tpu7x:2x2x1
jax: 0.10.2.dev20260603
libtpu: 0.0.44.dev20260713+nightly
codegen_flags: <defaults>
</compile_context>

<pallas_src>
import functools

import jax
import jax.numpy as jnp
from jax import lax
from jax.experimental import pallas as pl
from jax.experimental.pallas import tpu as pltpu
from jax.experimental.pallas import tpu_sc as plsc

_B, _NQ, _C, _NG = 32, 300, 80, 50
_ALPHA = 0.75
_W_VFL, _W_BBOX, _W_GIOU = 1.0, 5.0, 2.0
_L = 16
_BBLK = 8

_OT, _OS, _OLAB, _IN_W = 1200, 1400, 1456, 1520


def _pack_body(bx_hbm, tg_hbm, si_hbm, la_hbm, out_ref, bxv, tgv, siv, lav, sem):
    c0 = pltpu.async_copy(bx_hbm, bxv, sem)
    c1 = pltpu.async_copy(tg_hbm, tgv, sem)
    c2 = pltpu.async_copy(si_hbm, siv, sem)
    c3 = pltpu.async_copy(la_hbm, lav, sem)
    c0.wait()
    c1.wait()
    c2.wait()
    c3.wait()
    for k in range(4):
        out_ref[:, k * _NQ:(k + 1) * _NQ] = bxv[:, k, :]
        out_ref[:, _OT + k * _NG:_OT + (k + 1) * _NG] = tgv[:, k, :]
    out_ref[:, _OS:_OS + _NG] = siv[...].astype(jnp.float32)
    out_ref[:, _OS + _NG:_OLAB] = jnp.zeros((_B, 56 - _NG), jnp.float32)
    out_ref[:, _OLAB:_OLAB + _NG] = lav[...].astype(jnp.float32)
    out_ref[:, _OLAB + _NG:_IN_W] = jnp.zeros((_B, 64 - _NG), jnp.float32)


@functools.cache
def _get_pack_call():
    hbm = pl.BlockSpec(memory_space=pltpu.MemorySpace.HBM)
    return pl.pallas_call(
        _pack_body,
        in_specs=[hbm, hbm, hbm, hbm],
        out_shape=jax.ShapeDtypeStruct((_B, _IN_W), jnp.float32),
        scratch_shapes=[
            pltpu.VMEM((_B, 4, _NQ), jnp.float32),
            pltpu.VMEM((_B, 4, _NG), jnp.float32),
            pltpu.VMEM((_B, _NG), jnp.int32),
            pltpu.VMEM((_B, _NG), jnp.int32),
            pltpu.SemaphoreType.DMA,
        ],
    )
_OM, _OI, _OL, _OP, _OUT_W = 0, 384, 768, 1152, 1280


def _sc_body(in_hbm, out_hbm, in_v, out_v, sem):
    b = lax.axis_index("s") * 2 + lax.axis_index("c")
    cp = pltpu.async_copy(in_hbm.at[b], in_v, sem)
    zeros = jnp.zeros((_L,), jnp.float32)
    ones = jnp.ones((_L,), jnp.float32)
    for i in range(_OUT_W // _L):
        out_v[pl.ds(i * _L, _L)] = zeros
    cp.wait()

    lane = lax.iota(jnp.int32, _L)
    acc = zeros
    for g in range(64 // _L):
        qi = in_v[pl.ds(_OS + g * _L, _L)].astype(jnp.int32)
        li = in_v[pl.ds(_OLAB + g * _L, _L)]
        gl = lane + (g * _L)
        valid = gl < _NG
        qi = jnp.minimum(jnp.maximum(qi, 0), _NQ - 1)
        scx = plsc.load_gather(in_v, [qi])
        scy = plsc.load_gather(in_v, [qi + _NQ])
        sw = plsc.load_gather(in_v, [qi + 2 * _NQ])
        sh = plsc.load_gather(in_v, [qi + 3 * _NQ])
        tq = _OT + jnp.minimum(gl, _NG - 1)
        tcx = plsc.load_gather(in_v, [tq])
        tcy = plsc.load_gather(in_v, [tq + _NG])
        tw = plsc.load_gather(in_v, [tq + 2 * _NG])
        th = plsc.load_gather(in_v, [tq + 3 * _NG])
        sx1 = scx - 0.5 * sw
        sy1 = scy - 0.5 * sh
        sx2 = scx + 0.5 * sw
        sy2 = scy + 0.5 * sh
        tx1 = tcx - 0.5 * tw
        ty1 = tcy - 0.5 * th
        tx2 = tcx + 0.5 * tw
        ty2 = tcy + 0.5 * th
        a1 = (sx2 - sx1) * (sy2 - sy1)
        a2 = (tx2 - tx1) * (ty2 - ty1)
        iw = jnp.maximum(jnp.minimum(sx2, tx2) - jnp.maximum(sx1, tx1), 0.0)
        ih = jnp.maximum(jnp.minimum(sy2, ty2) - jnp.maximum(sy1, ty1), 0.0)
        inter = iw * ih
        union = a1 + a2 - inter
        iou = jnp.maximum(inter / union, 0.0)
        ew = jnp.maximum(sx2, tx2) - jnp.minimum(sx1, tx1)
        eh = jnp.maximum(sy2, ty2) - jnp.minimum(sy1, ty1)
        enc = ew * eh
        giou = iou - (enc - union) / enc
        l1 = (jnp.abs(scx - tcx) + jnp.abs(scy - tcy)
              + jnp.abs(sw - tw) + jnp.abs(sh - th))
        pair = _W_BBOX * l1 + _W_GIOU * (1.0 - giou)
        acc = acc + jnp.where(valid, pair, zeros)
        plsc.store_scatter(out_v, [qi + _OM], ones, mask=valid)
        plsc.store_scatter(out_v, [qi + _OI], iou, mask=valid)
        plsc.store_scatter(out_v, [qi + _OL], li, mask=valid)
    out_v[pl.ds(_OP, _L)] = acc

    pltpu.async_copy(out_v, out_hbm.at[b], sem).wait()


@functools.cache
def _get_sc_call():
    return pl.kernel(
        _sc_body,
        out_type=jax.ShapeDtypeStruct((_B, _OUT_W), jnp.float32),
        mesh=plsc.VectorSubcoreMesh(core_axis_name="c", subcore_axis_name="s"),
        compiler_params=pltpu.CompilerParams(needs_layout_passes=False),
        scratch_types=[
            pltpu.VMEM((_IN_W,), jnp.float32),
            pltpu.VMEM((_OUT_W,), jnp.float32),
            pltpu.SemaphoreType.DMA,
        ],
    )


def _tc_body(x_hbm, scat_ref, out_ref, xbuf, sems):
    j = pl.program_id(0)
    nblk = _B // _BBLK

    @pl.when(j == 0)
    def _():
        pltpu.make_async_copy(
            x_hbm.at[pl.ds(0, _BBLK)], xbuf.at[0], sems.at[0]).start()

    @pl.when(j + 1 < nblk)
    def _():
        pltpu.make_async_copy(
            x_hbm.at[pl.ds((j + 1) * _BBLK, _BBLK)],
            xbuf.at[(j + 1) % 2], sems.at[(j + 1) % 2]).start()

    pltpu.make_async_copy(
        x_hbm.at[pl.ds(j * _BBLK, _BBLK)], xbuf.at[j % 2],
        sems.at[j % 2]).wait()
    x = xbuf[j % 2]
    scat = scat_ref[...]
    t = jnp.exp(-jnp.abs(x))
    sig = jnp.where(x >= 0.0, 1.0, t) / (1.0 + t)
    sp = jnp.maximum(x, 0.0) + jnp.log1p(t)
    m = scat[:, _OM:_OM + _NQ]
    iou = scat[:, _OI:_OI + _NQ][:, None, :]
    labf = scat[:, _OL:_OL + _NQ][:, None, :]
    w = (_ALPHA * (1.0 - m))[:, None, :] * (sig * sig)
    c_iota = lax.broadcasted_iota(jnp.int32, (_BBLK, _C, _NQ), 1)
    iou_oh = jnp.where(c_iota == labf.astype(jnp.int32), iou, 0.0)
    contrib = jnp.sum(sp * (w + iou_oh) - (iou_oh * iou) * x)
    total = _W_VFL * contrib + jnp.sum(scat[:, _OP:_OP + _L])
    prev = jnp.where(j == 0, 0.0, out_ref[0, 0])
    out_ref[0, 0] = prev + total * (1.0 / float(_B * _NG))


@functools.cache
def _get_tc_call():
    nblk = _B // _BBLK
    return pl.pallas_call(
        _tc_body,
        grid=(nblk,),
        in_specs=[
            pl.BlockSpec(memory_space=pltpu.MemorySpace.HBM),
            pl.BlockSpec((_BBLK, _OUT_W), lambda j: (j, 0)),
        ],
        out_shape=jax.ShapeDtypeStruct((1, 1), jnp.float32),
        out_specs=pl.BlockSpec(memory_space=pltpu.SMEM),
        scratch_shapes=[
            pltpu.VMEM((2, _BBLK, _C, _NQ), jnp.float32),
            pltpu.SemaphoreType.DMA((2,)),
        ],
    )


def kernel(pred_logits, pred_boxes, tgt_boxes, tgt_labels, src_idx):
    pin = lambda a: pltpu.with_memory_space_constraint(a, pltpu.MemorySpace.HBM)
    packed = _get_pack_call()(
        pin(jnp.swapaxes(pred_boxes, 1, 2)),
        pin(jnp.swapaxes(tgt_boxes, 1, 2)),
        pin(src_idx.astype(jnp.int32)),
        pin(tgt_labels.astype(jnp.int32)),
    )
    scat = _get_sc_call()(packed)
    x_hbm = pltpu.with_memory_space_constraint(
        jnp.swapaxes(pred_logits, 1, 2), pltpu.MemorySpace.HBM)
    out = _get_tc_call()(x_hbm, scat)
    return out[0, 0]

# --- scband reference (transcript-rebuilt; emitter-appended) ---
"""Pipeline reference for scband-rtdetrcriterionv2-74268574482833 (READ-ONLY COPY).

The authoritative reference and input builder live on the scoring server;
editing this copy changes nothing except your own understanding.
"""

import jax, jax.numpy as jnp
import numpy as np

NUM_CLASSES = 80
ALPHA = 0.75
GAMMA = 2.0
W_VFL, W_BBOX, W_GIOU = 1.0, 5.0, 2.0


def box_cxcywh_to_xyxy(b):
    cx, cy, w, h = b[..., 0], b[..., 1], b[..., 2], b[..., 3]
    return jnp.stack([cx - 0.5 * w, cy - 0.5 * h, cx + 0.5 * w, cy + 0.5 * h], axis=-1)


def box_area(b):
    return (b[..., 2] - b[..., 0]) * (b[..., 3] - b[..., 1])


def box_iou(b1, b2):
    area1 = box_area(b1)
    area2 = box_area(b2)
    lt = jnp.maximum(b1[:, None, :2], b2[None, :, :2])
    rb = jnp.minimum(b1[:, None, 2:], b2[None, :, 2:])
    wh = jnp.clip(rb - lt, 0.0, None)
    inter = wh[..., 0] * wh[..., 1]
    union = area1[:, None] + area2[None, :] - inter
    return inter / union, union


def generalized_box_iou(b1, b2):
    iou, union = box_iou(b1, b2)
    lt = jnp.minimum(b1[:, None, :2], b2[None, :, :2])
    rb = jnp.maximum(b1[:, None, 2:], b2[None, :, 2:])
    wh = jnp.clip(rb - lt, 0.0, None)
    area = wh[..., 0] * wh[..., 1]
    return iou - (area - union) / area


def _forward(pred_logits, pred_boxes, tgt_boxes, tgt_labels, src_idx):
    B, NQ, C = pred_logits.shape
    NG = tgt_labels.shape[1]
    num_boxes = float(max(B * NG, 1))
    batch_idx = jnp.repeat(jnp.arange(B), NG)
    s = src_idx.reshape(-1)
    labels_flat = tgt_labels.reshape(-1)
    tboxes_flat = tgt_boxes.reshape(-1, 4)
    # --- loss_vfl ---
    target_classes = jnp.full((B, NQ), NUM_CLASSES, dtype=jnp.int32)
    target_classes = target_classes.at[batch_idx, s].set(labels_flat.astype(jnp.int32))
    pb_d = jax.lax.stop_gradient(pred_boxes)  # torch.no_grad block
    src_boxes_d = pb_d[batch_idx, s]
    iou_vals, _ = box_iou(box_cxcywh_to_xyxy(src_boxes_d), box_cxcywh_to_xyxy(tboxes_flat))
    iou_scores = jnp.clip(jnp.diagonal(iou_vals), 0.0, None)
    npos = B * NG
    tsp = jnp.zeros((npos, C), dtype=pred_logits.dtype)
    tsp = tsp.at[jnp.arange(npos), labels_flat].set(iou_scores)  # scatter_(1, labels, iou)
    target_scores = jnp.zeros((B, NQ, C), dtype=pred_logits.dtype)
    target_scores = target_scores.at[batch_idx, s].set(tsp)
    logits = pred_logits.reshape(-1, C)
    ts = target_scores.reshape(-1, C)
    pos_mask = (target_classes != NUM_CLASSES).reshape(-1)
    pred_score = jax.nn.sigmoid(jax.lax.stop_gradient(logits))
    is_pos = pos_mask.astype(logits.dtype)[:, None]
    is_neg = 1.0 - is_pos
    weight = ALPHA * jnp.abs(pred_score - ts) ** GAMMA * is_neg + ts * is_pos
    bce = jnp.logaddexp(0.0, logits) - logits * ts  # BCE-with-logits, elementwise
    loss_vfl = (bce * weight).sum() / num_boxes
    # --- loss_boxes ---
    src_boxes = pred_boxes[batch_idx, s]
    loss_bbox = jnp.abs(src_boxes - tboxes_flat).sum() / num_boxes
    giou = generalized_box_iou(box_cxcywh_to_xyxy(src_boxes), box_cxcywh_to_xyxy(tboxes_flat))
    loss_giou = (1.0 - jnp.diagonal(giou)).sum() / num_boxes
    return W_VFL * loss_vfl + W_BBOX * loss_bbox + W_GIOU * loss_giou


def setup_inputs(seed: int = 0):
    key = jax.random.key(seed)
    k1, k2, k3, k4, k5 = jax.random.split(key, 5)
    B, NQ, C, NG = 32, 300, 80, 50
    pred_logits = jax.random.normal(k1, (B, NQ, C), dtype=jnp.float32)
    pred_boxes = jax.random.uniform(k2, (B, NQ, 4), minval=0.1, maxval=0.6)
    tgt_boxes = jax.random.uniform(k3, (B, NG, 4), minval=0.1, maxval=0.6)
    tgt_labels = jax.random.randint(k4, (B, NG), 0, C)
    vals = jax.random.uniform(k5, (B, NQ))
    src_idx = jnp.argsort(vals, axis=1)[:, :NG].astype(jnp.int32)  # unique query idx per image (matcher output)
    return {"pred_logits": pred_logits, "pred_boxes": pred_boxes, "tgt_boxes": tgt_boxes, "tgt_labels": tgt_labels, "src_idx": src_idx}


def reference(pred_logits, pred_boxes, tgt_boxes, tgt_labels, src_idx):
    return _forward(pred_logits, pred_boxes, tgt_boxes, tgt_labels, src_idx)

if __name__ == "__main__":
    import jax
    _d = setup_inputs()
    print(jax.jit(kernel)(*tuple(_d.values())))

</pallas_src>

<mosaic_0001>
#map = affine_map<(d0, d1) -> (0, 0)>
module attributes {stable_mosaic.version = 14 : i64} {
  func.func @_sc_body(%arg0: i32, %arg1: i32, %arg2: memref<32x1520xf32, #tpu.memory_space<hbm>>, %arg3: memref<32x1280xf32, #tpu.memory_space<hbm>>, %arg4: memref<1520xf32, #tpu.memory_space<vmem>>, %arg5: memref<1280xf32, #tpu.memory_space<vmem>>, %arg6: memref<!tpu.dma_semaphore, #tpu.memory_space<semaphore_mem>>) attributes {dimension_semantics = [#tpu.dimension_semantics<core_parallel>, #tpu.dimension_semantics<subcore_parallel>], iteration_bounds = array<i64: 2, 16>, scalar_prefetch = 0 : i64, scratch_operands = 3 : i64, tpu.core_type = #tpu.core_type<sc_vector_subcore>, window_params = [{transform_indices = #map}, {transform_indices = #map}]} {
    %mul3A = arith.constant 2 : i32
    %mul3A_0 = arith.muli %arg1, %mul3A : i32
    %add3A = arith.addi %mul3A_0, %arg0 : i32
    %dma_start3A = arith.constant 0 : i32
    %dma_start3A_1 = tpu.memref_slice %arg2[%add3A, %dma_start3A] : memref<32x1520xf32, #tpu.memory_space<hbm>> -> memref<1x1520xf32, #tpu.memory_space<hbm>>
    %dma_start3A_2 = tpu.memref_squeeze %dma_start3A_1 : memref<1x1520xf32, #tpu.memory_space<hbm>> -> memref<1520xf32, #tpu.memory_space<hbm>>
    %dma_start3A_3 = arith.constant 0 : i32
    %dma_start3A_4 = tpu.memref_slice %arg2[%add3A, %dma_start3A_3] : memref<32x1520xf32, #tpu.memory_space<hbm>> -> memref<1x1520xf32, #tpu.memory_space<hbm>>
    %dma_start3A_5 = tpu.memref_squeeze %dma_start3A_4 : memref<1x1520xf32, #tpu.memory_space<hbm>> -> memref<1520xf32, #tpu.memory_space<hbm>>
    tpu.enqueue_dma source(%dma_start3A_5 : memref<1520xf32, #tpu.memory_space<hbm>>) target(%arg4 : memref<1520xf32, #tpu.memory_space<vmem>>) target_semaphore(%arg6 : memref<!tpu.dma_semaphore, #tpu.memory_space<semaphore_mem>>)
    %broadcast_in_dim3A = arith.constant 0.000000e+00 : f32
    %broadcast_in_dim3A_6 = vector.broadcast %broadcast_in_dim3A : f32 to vector<16xf32>
    %broadcast_in_dim3A_7 = arith.constant 1.000000e+00 : f32
    %broadcast_in_dim3A_8 = vector.broadcast %broadcast_in_dim3A_7 : f32 to vector<16xf32>
    %swap3A = arith.constant 0 : index
    %swap3A_9 = tpu.vector_load %arg5[%swap3A] {strides = array<i32>} : memref<1280xf32, #tpu.memory_space<vmem>>, vector<16xf32>,
    tpu.vector_store %arg5[%swap3A], %broadcast_in_dim3A_6 {strides = array<i32>} : memref<1280xf32, #tpu.memory_space<vmem>>, vector<16xf32>,
    %swap3A_10 = arith.constant 16 : index
    %swap3A_11 = tpu.vector_load %arg5[%swap3A_10] {strides = array<i32>} : memref<1280xf32, #tpu.memory_space<vmem>>, vector<16xf32>,
    tpu.vector_store %arg5[%swap3A_10], %broadcast_in_dim3A_6 {strides = array<i32>} : memref<1280xf32, #tpu.memory_space<vmem>>, vector<16xf32>,
    %swap3A_12 = arith.constant 32 : index
    %swap3A_13 = tpu.vector_load %arg5[%swap3A_12] {strides = array<i32>} : memref<1280xf32, #tpu.memory_space<vmem>>, vector<16xf32>,
    tpu.vector_store %arg5[%swap3A_12], %broadcast_in_dim3A_6 {strides = array<i32>} : memref<1280xf32, #tpu.memory_space<vmem>>, vector<16xf32>,
    %swap3A_14 = arith.constant 48 : index
    %swap3A_15 = tpu.vector_load %arg5[%swap3A_14] {strides = array<i32>} : memref<1280xf32, #tpu.memory_space<vmem>>, vector<16xf32>,
    tpu.vector_store %arg5[%swap3A_14], %broadcast_in_dim3A_6 {strides = array<i32>} : memref<1280xf32, #tpu.memory_space<vmem>>, vector<16xf32>,
    %swap3A_16 = arith.constant 64 : index
    %swap3A_17 = tpu.vector_load %arg5[%swap3A_16] {strides = array<i32>} : memref<1280xf32, #tpu.memory_space<vmem>>, vector<16xf32>,
    tpu.vector_store %arg5[%swap3A_16], %broadcast_in_dim3A_6 {strides = array<i32>} : memref<1280xf32, #tpu.memory_space<vmem>>, vector<16xf32>,
    %swap3A_18 = arith.constant 80 : index
    %swap3A_19 = tpu.vector_load %arg5[%swap3A_18] {strides = array<i32>} : memref<1280xf32, #tpu.memory_space<vmem>>, vector<16xf32>,
    tpu.vector_store %arg5[%swap3A_18], %broadcast_in_dim3A_6 {strides = array<i32>} : memref<1280xf32, #tpu.memory_space<vmem>>, vector<16xf32>,
    %swap3A_20 = arith.constant 96 : index
    %swap3A_21 = tpu.vector_load %arg5[%swap3A_20] {strides = array<i32>} : memref<1280xf32, #tpu.memory_space<vmem>>, vector<16xf32>,
    tpu.vector_store %arg5[%swap3A_20], %broadcast_in_dim3A_6 {strides = array<i32>} : memref<1280xf32, #tpu.memory_space<vmem>>, vector<16xf32>,
    %swap3A_22 = arith.constant 112 : index
    %swap3A_23 = tpu.vector_load %arg5[%swap3A_22] {strides = array<i32>} : memref<1280xf32, #tpu.memory_space<vmem>>, vector<16xf32>,
    tpu.vector_store %arg5[%swap3A_22], %broadcast_in_dim3A_6 {strides = array<i32>} : memref<1280xf32, #tpu.memory_space<vmem>>, vector<16xf32>,
    %swap3A_24 = arith.constant 128 : index
    %swap3A_25 = tpu.vector_load %arg5[%swap3A_24] {strides = array<i32>} : memref<1280xf32, #tpu.memory_space<vmem>>, vector<16xf32>,
    tpu.vector_store %arg5[%swap3A_24], %broadcast_in_dim3A_6 {strides = array<i32>} : memref<1280xf32, #tpu.memory_space<vmem>>, vector<16xf32>,
    %swap3A_26 = arith.constant 144 : index
    %swap3A_27 = tpu.vector_load %arg5[%swap3A_26] {strides = array<i32>} : memref<1280xf32, #tpu.memory_space<vmem>>, vector<16xf32>,
    tpu.vector_store %arg5[%swap3A_26], %broadcast_in_dim3A_6 {strides = array<i32>} : memref<1280xf32, #tpu.memory_space<vmem>>, vector<16xf32>,
    %swap3A_28 = arith.constant 160 : index
    %swap3A_29 = tpu.vector_load %arg5[%swap3A_28] {strides = array<i32>} : memref<1280xf32, #tpu.memory_space<vmem>>, vector<16xf32>,
    tpu.vector_store %arg5[%swap3A_28], %broadcast_in_dim3A_6 {strides = array<i32>} : memref<1280xf32, #tpu.memory_space<vmem>>, vector<16xf32>,
    %swap3A_30 = arith.constant 176 : index
    %swap3A_31 = tpu.vector_load %arg5[%swap3A_30] {strides = array<i32>} : memref<1280xf32, #tpu.memory_space<vmem>>, vector<16xf32>,
    tpu.vector_store %arg5[%swap3A_30], %broadcast_in_dim3A_6 {strides = array<i32>} : memref<1280xf32, #tpu.memory_space<vmem>>, vector<16xf32>,
    %swap3A_32 = arith.constant 192 : index
    %swap3A_33 = tpu.vector_load %arg5[%swap3A_32] {strides = array<i32>} : memref<1280xf32, #tpu.memory_space<vmem>>, vector<16xf32>,
    tpu.vector_store %arg5[%swap3A_32], %broadcast_in_dim3A_6 {strides = array<i32>} : memref<1280xf32, #tpu.memory_space<vmem>>, vector<16xf32>,
    %swap3A_34 = arith.constant 208 : index
    %swap3A_35 = tpu.vector_load %arg5[%swap3A_34] {strides = array<i32>} : memref<1280xf32, #tpu.memory_space<vmem>>, vector<16xf32>,
    tpu.vector_store %arg5[%swap3A_34], %broadcast_in_dim3A_6 {strides = array<i32>} : memref<1280xf32, #tpu.memory_space<vmem>>, vector<16xf32>,
    %swap3A_36 = arith.constant 224 : index
    %swap3A_37 = tpu.vector_load %arg5[%swap3A_36] {strides = array<i32>} : memref<1280xf32, #tpu.memory_space<vmem>>, vector<16xf32>,
    tpu.vector_store %arg5[%swap3A_36], %broadcast_in_dim3A_6 {strides = array<i32>} : memref<1280xf32, #tpu.memory_space<vmem>>, vector<16xf32>,
    %swap3A_38 = arith.constant 240 : index
    %swap3A_39 = tpu.vector_load %arg5[%swap3A_38] {strides = array<i32>} : memref<1280xf32, #tpu.memory_space<vmem>>, vector<16xf32>,
    tpu.vector_store %arg5[%swap3A_38], %broadcast_in_dim3A_6 {strides = array<i32>} : memref<1280xf32, #tpu.memory_space<vmem>>, vector<16xf32>,
    %swap3A_40 = arith.constant 256 : index
    %swap3A_41 = tpu.vector_load %arg5[%swap3A_40] {strides = array<i32>} : memref<1280xf32, #tpu.memory_space<vmem>>, vector<16xf32>,
    tpu.vector_store %arg5[%swap3A_40], %broadcast_in_dim3A_6 {strides = array<i32>} : memref<1280xf32, #tpu.memory_space<vmem>>, vector<16xf32>,
    %swap3A_42 = arith.constant 272 : index
    %swap3A_43 = tpu.vector_load %arg5[%swap3A_42] {strides = array<i32>} : memref<1280xf32, #tpu.memory_space<vmem>>, vector<16xf32>,
    tpu.vector_store %arg5[%swap3A_42], %broadcast_in_dim3A_6 {strides = array<i32>} : memref<1280xf32, #tpu.memory_space<vmem>>, vector<16xf32>,
    %swap3A_44 = arith.constant 288 : index
    %swap3A_45 = tpu.vector_load %arg5[%swap3A_44] {strides = array<i32>} : memref<1280xf32, #tpu.memory_space<vmem>>, vector<16xf32>,
    tpu.vector_store %arg5[%swap3A_44], %broadcast_in_dim3A_6 {strides = array<i32>} : memref<1280xf32, #tpu.memory_space<vmem>>, vector<16xf32>,
    %swap3A_46 = arith.constant 304 : index
    %swap3A_47 = tpu.vector_load %arg5[%swap3A_46] {strides = array<i32>} : memref<1280xf32, #tpu.memory_space<vmem>>, vector<16xf32>,
    tpu.vector_store %arg5[%swap3A_46], %broadcast_in_dim3A_6 {strides = array<i32>} : memref<1280xf32, #tpu.memory_space<vmem>>, vector<16xf32>,
    %swap3A_48 = arith.constant 320 : index
    %swap3A_49 = tpu.vector_load %arg5[%swap3A_48] {strides = array<i32>} : memref<1280xf32, #tpu.memory_space<vmem>>, vector<16xf32>,
    tpu.vector_store %arg5[%swap3A_48], %broadcast_in_dim3A_6 {strides = array<i32>} : memref<1280xf32, #tpu.memory_space<vmem>>, vector<16xf32>,
    %swap3A_50 = arith.constant 336 : index
    %swap3A_51 = tpu.vector_load %arg5[%swap3A_50] {strides = array<i32>} : memref<1280xf32, #tpu.memory_space<vmem>>, vector<16xf32>,
    tpu.vector_store %arg5[%swap3A_50], %broadcast_in_dim3A_6 {strides = array<i32>} : memref<1280xf32, #tpu.memory_space<vmem>>, vector<16xf32>,
    %swap3A_52 = arith.constant 352 : index
    %swap3A_53 = tpu.vector_load %arg5[%swap3A_52] {strides = array<i32>} : memref<1280xf32, #tpu.memory_space<vmem>>, vector<16xf32>,
    tpu.vector_store %arg5[%swap3A_52], %broadcast_in_dim3A_6 {strides = array<i32>} : memref<1280xf32, #tpu.memory_space<vmem>>, vector<16xf32>,
    %swap3A_54 = arith.constant 368 : index
    %swap3A_55 = tpu.vector_load %arg5[%swap3A_54] {strides = array<i32>} : memref<1280xf32, #tpu.memory_space<vmem>>, vector<16xf32>,
    tpu.vector_store %arg5[%swap3A_54], %broadcast_in_dim3A_6 {strides = array<i32>} : memref<1280xf32, #tpu.memory_space<vmem>>, vector<16xf32>,
    %swap3A_56 = arith.constant 384 : index
    %swap3A_57 = tpu.vector_load %arg5[%swap3A_56] {strides = array<i32>} : memref<1280xf32, #tpu.memory_space<vmem>>, vector<16xf32>,
    tpu.vector_store %arg5[%swap3A_56], %broadcast_in_dim3A_6 {strides = array<i32>} : memref<1280xf32, #tpu.memory_space<vmem>>, vector<16xf32>,
    %swap3A_58 = arith.constant 400 : index
    %swap3A_59 = tpu.vector_load %arg5[%swap3A_58] {strides = array<i32>} : memref<1280xf32, #tpu.memory_space<vmem>>, vector<16xf32>,
    tpu.vector_store %arg5[%swap3A_58], %broadcast_in_dim3A_6 {strides = array<i32>} : memref<1280xf32, #tpu.memory_space<vmem>>, vector<16xf32>,
    %swap3A_60 = arith.constant 416 : index
    %swap3A_61 = tpu.vector_load %arg5[%swap3A_60] {strides = array<i32>} : memref<1280xf32, #tpu.memory_space<vmem>>, vector<16xf32>,
    tpu.vector_store %arg5[%swap3A_60], %broadcast_in_dim3A_6 {strides = array<i32>} : memref<1280xf32, #tpu.memory_space<vmem>>, vector<16xf32>,
    %swap3A_62 = arith.constant 432 : index
    %swap3A_63 = tpu.vector_load %arg5[%swap3A_62] {strides = array<i32>} : memref<1280xf32, #tpu.memory_space<vmem>>, vector<16xf32>,
    tpu.vector_store %arg5[%swap3A_62], %broadcast_in_dim3A_6 {strides = array<i32>} : memref<1280xf32, #tpu.memory_space<vmem>>, vector<16xf32>,
    %swap3A_64 = arith.constant 448 : index
    %swap3A_65 = tpu.vector_load %arg5[%swap3A_64] {strides = array<i32>} : memref<1280xf32, #tpu.memory_space<vmem>>, vector<16xf32>,
    tpu.vector_store %arg5[%swap3A_64], %broadcast_in_dim3A_6 {strides = array<i32>} : memref<1280xf32, #tpu.memory_space<vmem>>, vector<16xf32>,
    %swap3A_66 = arith.constant 464 : index
    %swap3A_67 = tpu.vector_load %arg5[%swap3A_66] {strides = array<i32>} : memref<1280xf32, #tpu.memory_space<vmem>>, vector<16xf32>,
    tpu.vector_store %arg5[%swap3A_66], %broadcast_in_dim3A_6 {strides = array<i32>} : memref<1280xf32, #tpu.memory_space<vmem>>, vector<16xf32>,
    %swap3A_68 = arith.constant 480 : index
    %swap3A_69 = tpu.vector_load %arg5[%swap3A_68] {strides = array<i32>} : memref<1280xf32, #tpu.memory_space<vmem>>, vector<16xf32>,
    tpu.vector_store %arg5[%swap3A_68], %broadcast_in_dim3A_6 {strides = array<i32>} : memref<1280xf32, #tpu.memory_space<vmem>>, vector<16xf32>,
    %swap3A_70 = arith.constant 496 : index
    %swap3A_71 = tpu.vector_load %arg5[%swap3A_70] {strides = array<i32>} : memref<1280xf32, #tpu.memory_space<vmem>>, vector<16xf32>,
    tpu.vector_store %arg5[%swap3A_70], %broadcast_in_dim3A_6 {strides = array<i32>} : memref<1280xf32, #tpu.memory_space<vmem>>, vector<16xf32>,
    %swap3A_72 = arith.constant 512 : index
    %swap3A_73 = tpu.vector_load %arg5[%swap3A_72] {strides = array<i32>} : memref<1280xf32, #tpu.memory_space<vmem>>, vector<16xf32>,
    tpu.vector_store %arg5[%swap3A_72], %broadcast_in_dim3A_6 {strides = array<i32>} : memref<1280xf32, #tpu.memory_space<vmem>>, vector<16xf32>,
    %swap3A_74 = arith.constant 528 : index
    %swap3A_75 = tpu.vector_load %arg5[%swap3A_74] {strides = array<i32>} : memref<1280xf32, #tpu.memory_space<vmem>>, vector<16xf32>,
    tpu.vector_store %arg5[%swap3A_74], %broadcast_in_dim3A_6 {strides = array<i32>} : memref<1280xf32, #tpu.memory_space<vmem>>, vector<16xf32>,
    %swap3A_76 = arith.constant 544 : index
    %swap3A_77 = tpu.vector_load %arg5[%swap3A_76] {strides = array<i32>} : memref<1280xf32, #tpu.memory_space<vmem>>, vector<16xf32>,
    tpu.vector_store %arg5[%swap3A_76], %broadcast_in_dim3A_6 {strides = array<i32>} : memref<1280xf32, #tpu.memory_space<vmem>>, vector<16xf32>,
    %swap3A_78 = arith.constant 560 : index
    %swap3A_79 = tpu.vector_load %arg5[%swap3A_78] {strides = array<i32>} : memref<1280xf32, #tpu.memory_space<vmem>>, vector<16xf32>,
    tpu.vector_store %arg5[%swap3A_78], %broadcast_in_dim3A_6 {strides = array<i32>} : memref<1280xf32, #tpu.memory_space<vmem>>, vector<16xf32>,
    %swap3A_80 = arith.constant 576 : index
    %swap3A_81 = tpu.vector_load %arg5[%swap3A_80] {strides = array<i32>} : memref<1280xf32, #tpu.memory_space<vmem>>, vector<16xf32>,
    tpu.vector_store %arg5[%swap3A_80], %broadcast_in_dim3A_6 {strides = array<i32>} : memref<1280xf32, #tpu.memory_space<vmem>>, vector<16xf32>,
    %swap3A_82 = arith.constant 592 : index
    %swap3A_83 = tpu.vector_load %arg5[%swap3A_82] {strides = array<i32>} : memref<1280xf32, #tpu.memory_space<vmem>>, vector<16xf32>,
    tpu.vector_store %arg5[%swap3A_82], %broadcast_in_dim3A_6 {strides = array<i32>} : memref<1280xf32, #tpu.memory_space<vmem>>, vector<16xf32>,
    %swap3A_84 = arith.constant 608 : index
    %swap3A_85 = tpu.vector_load %arg5[%swap3A_84] {strides = array<i32>} : memref<1280xf32, #tpu.memory_space<vmem>>, vector<16xf32>,
    tpu.vector_store %arg5[%swap3A_84], %broadcast_in_dim3A_6 {strides = array<i32>} : memref<1280xf32, #tpu.memory_space<vmem>>, vector<16xf32>,
    %swap3A_86 = arith.constant 624 : index
    %swap3A_87 = tpu.vector_load %arg5[%swap3A_86] {strides = array<i32>} : memref<1280xf32, #tpu.memory_space<vmem>>, vector<16xf32>,
    tpu.vector_store %arg5[%swap3A_86], %broadcast_in_dim3A_6 {strides = array<i32>} : memref<1280xf32, #tpu.memory_space<vmem>>, vector<16xf32>,
    %swap3A_88 = arith.constant 640 : index
    %swap3A_89 = tpu.vector_load %arg5[%swap3A_88] {strides = array<i32>} : memref<1280xf32, #tpu.memory_space<vmem>>, vector<16xf32>,
    tpu.vector_store %arg5[%swap3A_88], %broadcast_in_dim3A_6 {strides = array<i32>} : memref<1280xf32, #tpu.memory_space<vmem>>, vector<16xf32>,
    %swap3A_90 = arith.constant 656 : index
    %swap3A_91 = tpu.vector_load %arg5[%swap3A_90] {strides = array<i32>} : memref<1280xf32, #tpu.memory_space<vmem>>, vector<16xf32>,
    tpu.vector_store %arg5[%swap3A_90], %broadcast_in_dim3A_6 {strides = array<i32>} : memref<1280xf32, #tpu.memory_space<vmem>>, vector<16xf32>,
    %swap3A_92 = arith.constant 672 : index
    %swap3A_93 = tpu.vector_load %arg5[%swap3A_92] {strides = array<i32>} : memref<1280xf32, #tpu.memory_space<vmem>>, vector<16xf32>,
    tpu.vector_store %arg5[%swap3A_92], %broadcast_in_dim3A_6 {strides = array<i32>} : memref<1280xf32, #tpu.memory_space<vmem>>, vector<16xf32>,
    %swap3A_94 = arith.constant 688 : index
    %swap3A_95 = tpu.vector_load %arg5[%swap3A_94] {strides = array<i32>} : memref<1280xf32, #tpu.memory_space<vmem>>, vector<16xf32>,
    tpu.vector_store %arg5[%swap3A_94], %broadcast_in_dim3A_6 {strides = array<i32>} : memref<1280xf32, #tpu.memory_space<vmem>>, vector<16xf32>,
    %swap3A_96 = arith.constant 704 : index
    %swap3A_97 = tpu.vector_load %arg5[%swap3A_96] {strides = array<i32>} : memref<1280xf32, #tpu.memory_space<vmem>>, vector<16xf32>,
    tpu.vector_store %arg5[%swap3A_96], %broadcast_in_dim3A_6 {strides = array<i32>} : memref<1280xf32, #tpu.memory_space<vmem>>, vector<16xf32>,
    %swap3A_98 = arith.constant 720 : index
    %swap3A_99 = tpu.vector_load %arg5[%swap3A_98] {strides = array<i32>} : memref<1280xf32, #tpu.memory_space<vmem>>, vector<16xf32>,
    tpu.vector_store %arg5[%swap3A_98], %broadcast_in_dim3A_6 {strides = array<i32>} : memref<1280xf32, #tpu.memory_space<vmem>>, vector<16xf32>,
    %swap3A_100 = arith.constant 736 : index
    %swap3A_101 = tpu.vector_load %arg5[%swap3A_100] {strides = array<i32>} : memref<1280xf32, #tpu.memory_space<vmem>>, vector<16xf32>,
    tpu.vector_store %arg5[%swap3A_100], %broadcast_in_dim3A_6 {strides = array<i32>} : memref<1280xf32, #tpu.memory_space<vmem>>, vector<16xf32>,
    %swap3A_102 = arith.constant 752 : index
    %swap3A_103 = tpu.vector_load %arg5[%swap3A_102] {strides = array<i32>} : memref<1280xf32, #tpu.memory_space<vmem>>, vector<16xf32>,
    tpu.vector_store %arg5[%swap3A_102], %broadcast_in_dim3A_6 {strides = array<i32>} : memref<1280xf32, #tpu.memory_space<vmem>>, vector<16xf32>,
    %swap3A_104 = arith.constant 768 : index
    %swap3A_105 = tpu.vector_load %arg5[%swap3A_104] {strides = array<i32>} : memref<1280xf32, #tpu.memory_space<vmem>>, vector<16xf32>,
    tpu.vector_store %arg5[%swap3A_104], %broadcast_in_dim3A_6 {strides = array<i32>} : memref<1280xf32, #tpu.memory_space<vmem>>, vector<16xf32>,
    %swap3A_106 = arith.constant 784 : index
    %swap3A_107 = tpu.vector_load %arg5[%swap3A_106] {strides = array<i32>} : memref<1280xf32, #tpu.memory_space<vmem>>, vector<16xf32>,
    tpu.vector_store %arg5[%swap3A_106], %broadcast_in_dim3A_6 {strides = array<i32>} : memref<1280xf32, #tpu.memory_space<vmem>>, vector<16xf32>,
    %swap3A_108 = arith.constant 800 : index
    %swap3A_109 = tpu.vector_load %arg5[%swap3A_108] {strides = array<i32>} : memref<1280xf32, #tpu.memory_space<vmem>>, vector<16xf32>,
    tpu.vector_store %arg5[%swap3A_108], %broadcast_in_dim3A_6 {strides = array<i32>} : memref<1280xf32, #tpu.memory_space<vmem>>, vector<16xf32>,
    %swap3A_110 = arith.constant 816 : index
    %swap3A_111 = tpu.vector_load %arg5[%swap3A_110] {strides = array<i32>} : memref<1280xf32, #tpu.memory_space<vmem>>, vector<16xf32>,
    tpu.vector_store %arg5[%swap3A_110], %broadcast_in_dim3A_6 {strides = array<i32>} : memref<1280xf32, #tpu.memory_space<vmem>>, vector<16xf32>,
    %swap3A_112 = arith.constant 832 : index
    %swap3A_113 = tpu.vector_load %arg5[%swap3A_112] {strides = array<i32>} : memref<1280xf32, #tpu.memory_space<vmem>>, vector<16xf32>,
    tpu.vector_store %arg5[%swap3A_112], %broadcast_in_dim3A_6 {strides = array<i32>} : memref<1280xf32, #tpu.memory_space<vmem>>, vector<16xf32>,
    %swap3A_114 = arith.constant 848 : index
    %swap3A_115 = tpu.vector_load %arg5[%swap3A_114] {strides = array<i32>} : memref<1280xf32, #tpu.memory_space<vmem>>, vector<16xf32>,
    tpu.vector_store %arg5[%swap3A_114], %broadcast_in_dim3A_6 {strides = array<i32>} : memref<1280xf32, #tpu.memory_space<vmem>>, vector<16xf32>,
    %swap3A_116 = arith.constant 864 : index
    %swap3A_117 = tpu.vector_load %arg5[%swap3A_116] {strides = array<i32>} : memref<1280xf32, #tpu.memory_space<vmem>>, vector<16xf32>,
    tpu.vector_store %arg5[%swap3A_116], %broadcast_in_dim3A_6 {strides = array<i32>} : memref<1280xf32, #tpu.memory_space<vmem>>, vector<16xf32>,
    %swap3A_118 = arith.constant 880 : index
    %swap3A_119 = tpu.vector_load %arg5[%swap3A_118] {strides = array<i32>} : memref<1280xf32, #tpu.memory_space<vmem>>, vector<16xf32>,
    tpu.vector_store %arg5[%swap3A_118], %broadcast_in_dim3A_6 {strides = array<i32>} : memref<1280xf32, #tpu.memory_space<vmem>>, vector<16xf32>,
    %swap3A_120 = arith.constant 896 : index
    %swap3A_121 = tpu.vector_load %arg5[%swap3A_120] {strides = array<i32>} : memref<1280xf32, #tpu.memory_space<vmem>>, vector<16xf32>,
    tpu.vector_store %arg5[%swap3A_120], %broadcast_in_dim3A_6 {strides = array<i32>} : memref<1280xf32, #tpu.memory_space<vmem>>, vector<16xf32>,
    %swap3A_122 = arith.constant 912 : index
    %swap3A_123 = tpu.vector_load %arg5[%swap3A_122] {strides = array<i32>} : memref<1280xf32, #tpu.memory_space<vmem>>, vector<16xf32>,
    tpu.vector_store %arg5[%swap3A_122], %broadcast_in_dim3A_6 {strides = array<i32>} : memref<1280xf32, #tpu.memory_space<vmem>>, vector<16xf32>,
    %swap3A_124 = arith.constant 928 : index
    %swap3A_125 = tpu.vector_load %arg5[%swap3A_124] {strides = array<i32>} : memref<1280xf32, #tpu.memory_space<vmem>>, vector<16xf32>,
    tpu.vector_store %arg5[%swap3A_124], %broadcast_in_dim3A_6 {strides = array<i32>} : memref<1280xf32, #tpu.memory_space<vmem>>, vector<16xf32>,
    %swap3A_126 = arith.constant 944 : index
    %swap3A_127 = tpu.vector_load %arg5[%swap3A_126] {strides = array<i32>} : memref<1280xf32, #tpu.memory_space<vmem>>, vector<16xf32>,
    tpu.vector_store %arg5[%swap3A_126], %broadcast_in_dim3A_6 {strides = array<i32>} : memref<1280xf32, #tpu.memory_space<vmem>>, vector<16xf32>,
    %swap3A_128 = arith.constant 960 : index
    %swap3A_129 = tpu.vector_load %arg5[%swap3A_128] {strides = array<i32>} : memref<1280xf32, #tpu.memory_space<vmem>>, vector<16xf32>,
    tpu.vector_store %arg5[%swap3A_128], %broadcast_in_dim3A_6 {strides = array<i32>} : memref<1280xf32, #tpu.memory_space<vmem>>, vector<16xf32>,
    %swap3A_130 = arith.constant 976 : index
    %swap3A_131 = tpu.vector_load %arg5[%swap3A_130] {strides = array<i32>} : memref<1280xf32, #tpu.memory_space<vmem>>, vector<16xf32>,
    tpu.vector_store %arg5[%swap3A_130], %broadcast_in_dim3A_6 {strides = array<i32>} : memref<1280xf32, #tpu.memory_space<vmem>>, vector<16xf32>,
    %swap3A_132 = arith.constant 992 : index
    %swap3A_133 = tpu.vector_load %arg5[%swap3A_132] {strides = array<i32>} : memref<1280xf32, #tpu.memory_space<vmem>>, vector<16xf32>,
    tpu.vector_store %arg5[%swap3A_132], %broadcast_in_dim3A_6 {strides = array<i32>} : memref<1280xf32, #tpu.memory_space<vmem>>, vector<16xf32>,
    %swap3A_134 = arith.constant 1008 : index
    %swap3A_135 = tpu.vector_load %arg5[%swap3A_134] {strides = array<i32>} : memref<1280xf32, #tpu.memory_space<vmem>>, vector<16xf32>,
    tpu.vector_store %arg5[%swap3A_134], %broadcast_in_dim3A_6 {strides = array<i32>} : memref<1280xf32, #tpu.memory_space<vmem>>, vector<16xf32>,
    %swap3A_136 = arith.constant 1024 : index
    %swap3A_137 = tpu.vector_load %arg5[%swap3A_136] {strides = array<i32>} : memref<1280xf32, #tpu.memory_space<vmem>>, vector<16xf32>,
    tpu.vector_store %arg5[%swap3A_136], %broadcast_in_dim3A_6 {strides = array<i32>} : memref<1280xf32, #tpu.memory_space<vmem>>, vector<16xf32>,
    %swap3A_138 = arith.constant 1040 : index
    %swap3A_139 = tpu.vector_load %arg5[%swap3A_138] {strides = array<i32>} : memref<1280xf32, #tpu.memory_space<vmem>>, vector<16xf32>,
    tpu.vector_store %arg5[%swap3A_138], %broadcast_in_dim3A_6 {strides = array<i32>} : memref<1280xf32, #tpu.memory_space<vmem>>, vector<16xf32>,
    %swap3A_140 = arith.constant 1056 : index
    %swap3A_141 = tpu.vector_load %arg5[%swap3A_140] {strides = array<i32>} : memref<1280xf32, #tpu.memory_space<vmem>>, vector<16xf32>,
    tpu.vector_store %arg5[%swap3A_140], %broadcast_in_dim3A_6 {strides = array<i32>} : memref<1280xf32, #tpu.memory_space<vmem>>, vector<16xf32>,
    %swap3A_142 = arith.constant 1072 : index
    %swap3A_143 = tpu.vector_load %arg5[%swap3A_142] {strides = array<i32>} : memref<1280xf32, #tpu.memory_space<vmem>>, vector<16xf32>,
    tpu.vector_store %arg5[%swap3A_142], %broadcast_in_dim3A_6 {strides = array<i32>} : memref<1280xf32, #tpu.memory_space<vmem>>, vector<16xf32>,
    %swap3A_144 = arith.constant 1088 : index
    %swap3A_145 = tpu.vector_load %arg5[%swap3A_144] {strides = array<i32>} : memref<1280xf32, #tpu.memory_space<vmem>>, vector<16xf32>,
    tpu.vector_store %arg5[%swap3A_144], %broadcast_in_dim3A_6 {strides = array<i32>} : memref<1280xf32, #tpu.memory_space<vmem>>, vector<16xf32>,
    %swap3A_146 = arith.constant 1104 : index
    %swap3A_147 = tpu.vector_load %arg5[%swap3A_146] {strides = array<i32>} : memref<1280xf32, #tpu.memory_space<vmem>>, vector<16xf32>,
    tpu.vector_store %arg5[%swap3A_146], %broadcast_in_dim3A_6 {strides = array<i32>} : memref<1280xf32, #tpu.memory_space<vmem>>, vector<16xf32>,
    %swap3A_148 = arith.constant 1120 : index
    %swap3A_149 = tpu.vector_load %arg5[%swap3A_148] {strides = array<i32>} : memref<1280xf32, #tpu.memory_space<vmem>>, vector<16xf32>,
    tpu.vector_store %arg5[%swap3A_148], %broadcast_in_dim3A_6 {strides = array<i32>} : memref<1280xf32, #tpu.memory_space<vmem>>, vector<16xf32>,
    %swap3A_150 = arith.constant 1136 : index
    %swap3A_151 = tpu.vector_load %arg5[%swap3A_150] {strides = array<i32>} : memref<1280xf32, #tpu.memory_space<vmem>>, vector<16xf32>,
    tpu.vector_store %arg5[%swap3A_150], %broadcast_in_dim3A_6 {strides = array<i32>} : memref<1280xf32, #tpu.memory_space<vmem>>, vector<16xf32>,
    %swap3A_152 = arith.constant 1152 : index
    %swap3A_153 = tpu.vector_load %arg5[%swap3A_152] {strides = array<i32>} : memref<1280xf32, #tpu.memory_space<vmem>>, vector<16xf32>,
    tpu.vector_store %arg5[%swap3A_152], %broadcast_in_dim3A_6 {strides = array<i32>} : memref<1280xf32, #tpu.memory_space<vmem>>, vector<16xf32>,
    %swap3A_154 = arith.constant 1168 : index
    %swap3A_155 = tpu.vector_load %arg5[%swap3A_154] {strides = array<i32>} : memref<1280xf32, #tpu.memory_space<vmem>>, vector<16xf32>,
    tpu.vector_store %arg5[%swap3A_154], %broadcast_in_dim3A_6 {strides = array<i32>} : memref<1280xf32, #tpu.memory_space<vmem>>, vector<16xf32>,
    %swap3A_156 = arith.constant 1184 : index
    %swap3A_157 = tpu.vector_load %arg5[%swap3A_156] {strides = array<i32>} : memref<1280xf32, #tpu.memory_space<vmem>>, vector<16xf32>,
    tpu.vector_store %arg5[%swap3A_156], %broadcast_in_dim3A_6 {strides = array<i32>} : memref<1280xf32, #tpu.memory_space<vmem>>, vector<16xf32>,
    %swap3A_158 = arith.constant 1200 : index
    %swap3A_159 = tpu.vector_load %arg5[%swap3A_158] {strides = array<i32>} : memref<1280xf32, #tpu.memory_space<vmem>>, vector<16xf32>,
    tpu.vector_store %arg5[%swap3A_158], %broadcast_in_dim3A_6 {strides = array<i32>} : memref<1280xf32, #tpu.memory_space<vmem>>, vector<16xf32>,
    %swap3A_160 = arith.constant 1216 : index
    %swap3A_161 = tpu.vector_load %arg5[%swap3A_160] {strides = array<i32>} : memref<1280xf32, #tpu.memory_space<vmem>>, vector<16xf32>,
    tpu.vector_store %arg5[%swap3A_160], %broadcast_in_dim3A_6 {strides = array<i32>} : memref<1280xf32, #tpu.memory_space<vmem>>, vector<16xf32>,
    %swap3A_162 = arith.constant 1232 : index
    %swap3A_163 = tpu.vector_load %arg5[%swap3A_162] {strides = array<i32>} : memref<1280xf32, #tpu.memory_space<vmem>>, vector<16xf32>,
    tpu.vector_store %arg5[%swap3A_162], %broadcast_in_dim3A_6 {strides = array<i32>} : memref<1280xf32, #tpu.memory_space<vmem>>, vector<16xf32>,
    %swap3A_164 = arith.constant 1248 : index
    %swap3A_165 = tpu.vector_load %arg5[%swap3A_164] {strides = array<i32>} : memref<1280xf32, #tpu.memory_space<vmem>>, vector<16xf32>,
    tpu.vector_store %arg5[%swap3A_164], %broadcast_in_dim3A_6 {strides = array<i32>} : memref<1280xf32, #tpu.memory_space<vmem>>, vector<16xf32>,
    %swap3A_166 = arith.constant 1264 : index
    %swap3A_167 = tpu.vector_load %arg5[%swap3A_166] {strides = array<i32>} : memref<1280xf32, #tpu.memory_space<vmem>>, vector<16xf32>,
    tpu.vector_store %arg5[%swap3A_166], %broadcast_in_dim3A_6 {strides = array<i32>} : memref<1280xf32, #tpu.memory_space<vmem>>, vector<16xf32>,
    %dma_wait3A = arith.constant 0 : i32
    %dma_wait3A_168 = tpu.memref_slice %arg2[%add3A, %dma_wait3A] : memref<32x1520xf32, #tpu.memory_space<hbm>> -> memref<1x1520xf32, #tpu.memory_space<hbm>>
    %dma_wait3A_169 = tpu.memref_squeeze %dma_wait3A_168 : memref<1x1520xf32, #tpu.memory_space<hbm>> -> memref<1520xf32, #tpu.memory_space<hbm>>
    %dma_wait3A_170 = arith.constant 0 : i32
    %dma_wait3A_171 = tpu.memref_slice %arg2[%add3A, %dma_wait3A_170] : memref<32x1520xf32, #tpu.memory_space<hbm>> -> memref<1x1520xf32, #tpu.memory_space<hbm>>
    %dma_wait3A_172 = tpu.memref_squeeze %dma_wait3A_171 : memref<1x1520xf32, #tpu.memory_space<hbm>> -> memref<1520xf32, #tpu.memory_space<hbm>>
    tpu.wait_dma2 semaphore(%arg6 : memref<!tpu.dma_semaphore, #tpu.memory_space<semaphore_mem>>) src(%dma_wait3A_172 : memref<1520xf32, #tpu.memory_space<hbm>>) dst(%arg4 : memref<1520xf32, #tpu.memory_space<vmem>>)
    %iota3A = tpu.iota {dimensions = array<i32: 0>} : vector<16xi32>
    %get3A = arith.constant 1400 : index
    %get3A_173 = tpu.vector_load %arg4[%get3A] {strides = array<i32>} : memref<1520xf32, #tpu.memory_space<vmem>>, vector<16xf32>,
    %convert_element_type3A = arith.fptosi %get3A_173 : vector<16xf32> to vector<16xi32>
    %get3A_174 = arith.constant 1456 : index
    %get3A_175 = tpu.vector_load %arg4[%get3A_174] {strides = array<i32>} : memref<1520xf32, #tpu.memory_space<vmem>>, vector<16xf32>,
    %add3A_176 = arith.constant 0 : i32
    %add3A_177 = vector.broadcast %add3A_176 : i32 to vector<16xi32>
    %add3A_178 = arith.addi %iota3A, %add3A_177 : vector<16xi32>
    %lt3A = arith.constant 50 : i32
    %lt3A_179 = vector.broadcast %lt3A : i32 to vector<16xi32>
    %lt3A_180 = arith.cmpi slt, %add3A_178, %lt3A_179 : vector<16xi32>
    %max3A = arith.constant 0 : i32
    %max3A_181 = vector.broadcast %max3A : i32 to vector<16xi32>
    %max3A_182 = arith.maxsi %convert_element_type3A, %max3A_181 : vector<16xi32>
    %min3A = arith.constant 299 : i32
    %min3A_183 = vector.broadcast %min3A : i32 to vector<16xi32>
    %min3A_184 = arith.minsi %max3A_182, %min3A_183 : vector<16xi32>
    %gather3A = tpu.vector_load_idx %arg4[%min3A_184] : memref<1520xf32, #tpu.memory_space<vmem>>[vector<16xi32>], vector<16xf32>,
    %add3A_185 = arith.constant 300 : i32
    %add3A_186 = vector.broadcast %add3A_185 : i32 to vector<16xi32>
    %add3A_187 = arith.addi %min3A_184, %add3A_186 : vector<16xi32>
    %gather3A_188 = tpu.vector_load_idx %arg4[%add3A_187] : memref<1520xf32, #tpu.memory_space<vmem>>[vector<16xi32>], vector<16xf32>,
    %add3A_189 = arith.constant 600 : i32
    %add3A_190 = vector.broadcast %add3A_189 : i32 to vector<16xi32>
    %add3A_191 = arith.addi %min3A_184, %add3A_190 : vector<16xi32>
    %gather3A_192 = tpu.vector_load_idx %arg4[%add3A_191] : memref<1520xf32, #tpu.memory_space<vmem>>[vector<16xi32>], vector<16xf32>,
    %add3A_193 = arith.constant 900 : i32
    %add3A_194 = vector.broadcast %add3A_193 : i32 to vector<16xi32>
    %add3A_195 = arith.addi %min3A_184, %add3A_194 : vector<16xi32>
    %gather3A_196 = tpu.vector_load_idx %arg4[%add3A_195] : memref<1520xf32, #tpu.memory_space<vmem>>[vector<16xi32>], vector<16xf32>,
    %min3A_197 = arith.constant 49 : i32
    %min3A_198 = vector.broadcast %min3A_197 : i32 to vector<16xi32>
    %min3A_199 = arith.minsi %add3A_178, %min3A_198 : vector<16xi32>
    %add3A_200 = arith.constant 1200 : i32
    %add3A_201 = vector.broadcast %add3A_200 : i32 to vector<16xi32>
    %add3A_202 = arith.addi %add3A_201, %min3A_199 : vector<16xi32>
    %gather3A_203 = tpu.vector_load_idx %arg4[%add3A_202] : memref<1520xf32, #tpu.memory_space<vmem>>[vector<16xi32>], vector<16xf32>,
    %add3A_204 = arith.constant 50 : i32
    %add3A_205 = vector.broadcast %add3A_204 : i32 to vector<16xi32>
    %add3A_206 = arith.addi %add3A_202, %add3A_205 : vector<16xi32>
    %gather3A_207 = tpu.vector_load_idx %arg4[%add3A_206] : memref<1520xf32, #tpu.memory_space<vmem>>[vector<16xi32>], vector<16xf32>,
    %add3A_208 = arith.constant 100 : i32
    %add3A_209 = vector.broadcast %add3A_208 : i32 to vector<16xi32>
    %add3A_210 = arith.addi %add3A_202, %add3A_209 : vector<16xi32>
    %gather3A_211 = tpu.vector_load_idx %arg4[%add3A_210] : memref<1520xf32, #tpu.memory_space<vmem>>[vector<16xi32>], vector<16xf32>,
    %add3A_212 = arith.constant 150 : i32
    %add3A_213 = vector.broadcast %add3A_212 : i32 to vector<16xi32>
    %add3A_214 = arith.addi %add3A_202, %add3A_213 : vector<16xi32>
    %gather3A_215 = tpu.vector_load_idx %arg4[%add3A_214] : memref<1520xf32, #tpu.memory_space<vmem>>[vector<16xi32>], vector<16xf32>,
    %mul3A_216 = arith.constant 5.000000e-01 : f32
    %mul3A_217 = vector.broadcast %mul3A_216 : f32 to vector<16xf32>
    %mul3A_218 = arith.mulf %mul3A_217, %gather3A_192 : vector<16xf32>
    %sub3A = arith.subf %gather3A, %mul3A_218 : vector<16xf32>
    %mul3A_219 = arith.constant 5.000000e-01 : f32
    %mul3A_220 = vector.broadcast %mul3A_219 : f32 to vector<16xf32>
    %mul3A_221 = arith.mulf %mul3A_220, %gather3A_196 : vector<16xf32>
    %sub3A_222 = arith.subf %gather3A_188, %mul3A_221 : vector<16xf32>
    %mul3A_223 = arith.constant 5.000000e-01 : f32
    %mul3A_224 = vector.broadcast %mul3A_223 : f32 to vector<16xf32>
    %mul3A_225 = arith.mulf %mul3A_224, %gather3A_192 : vector<16xf32>
    %add3A_226 = arith.addf %gather3A, %mul3A_225 : vector<16xf32>
    %mul3A_227 = arith.constant 5.000000e-01 : f32
    %mul3A_228 = vector.broadcast %mul3A_227 : f32 to vector<16xf32>
    %mul3A_229 = arith.mulf %mul3A_228, %gather3A_196 : vector<16xf32>
    %add3A_230 = arith.addf %gather3A_188, %mul3A_229 : vector<16xf32>
    %mul3A_231 = arith.constant 5.000000e-01 : f32
    %mul3A_232 = vector.broadcast %mul3A_231 : f32 to vector<16xf32>
    %mul3A_233 = arith.mulf %mul3A_232, %gather3A_211 : vector<16xf32>
    %sub3A_234 = arith.subf %gather3A_203, %mul3A_233 : vector<16xf32>
    %mul3A_235 = arith.constant 5.000000e-01 : f32
    %mul3A_236 = vector.broadcast %mul3A_235 : f32 to vector<16xf32>
    %mul3A_237 = arith.mulf %mul3A_236, %gather3A_215 : vector<16xf32>
    %sub3A_238 = arith.subf %gather3A_207, %mul3A_237 : vector<16xf32>
    %mul3A_239 = arith.constant 5.000000e-01 : f32
    %mul3A_240 = vector.broadcast %mul3A_239 : f32 to vector<16xf32>
    %mul3A_241 = arith.mulf %mul3A_240, %gather3A_211 : vector<16xf32>
    %add3A_242 = arith.addf %gather3A_203, %mul3A_241 : vector<16xf32>
    %mul3A_243 = arith.constant 5.000000e-01 : f32
    %mul3A_244 = vector.broadcast %mul3A_243 : f32 to vector<16xf32>
    %mul3A_245 = arith.mulf %mul3A_244, %gather3A_215 : vector<16xf32>
    %add3A_246 = arith.addf %gather3A_207, %mul3A_245 : vector<16xf32>
    %sub3A_247 = arith.subf %add3A_226, %sub3A : vector<16xf32>
    %sub3A_248 = arith.subf %add3A_230, %sub3A_222 : vector<16xf32>
    %mul3A_249 = arith.mulf %sub3A_247, %sub3A_248 : vector<16xf32>
    %sub3A_250 = arith.subf %add3A_242, %sub3A_234 : vector<16xf32>
    %sub3A_251 = arith.subf %add3A_246, %sub3A_238 : vector<16xf32>
    %mul3A_252 = arith.mulf %sub3A_250, %sub3A_251 : vector<16xf32>
    %min3A_253 = arith.minimumf %add3A_226, %add3A_242 : vector<16xf32>
    %max3A_254 = arith.maximumf %sub3A, %sub3A_234 : vector<16xf32>
    %sub3A_255 = arith.subf %min3A_253, %max3A_254 : vector<16xf32>
    %max3A_256 = arith.constant 0.000000e+00 : f32
    %max3A_257 = vector.broadcast %max3A_256 : f32 to vector<16xf32>
    %max3A_258 = arith.maximumf %sub3A_255, %max3A_257 : vector<16xf32>
    %min3A_259 = arith.minimumf %add3A_230, %add3A_246 : vector<16xf32>
    %max3A_260 = arith.maximumf %sub3A_222, %sub3A_238 : vector<16xf32>
    %sub3A_261 = arith.subf %min3A_259, %max3A_260 : vector<16xf32>
    %max3A_262 = arith.constant 0.000000e+00 : f32
    %max3A_263 = vector.broadcast %max3A_262 : f32 to vector<16xf32>
    %max3A_264 = arith.maximumf %sub3A_261, %max3A_263 : vector<16xf32>
    %mul3A_265 = arith.mulf %max3A_258, %max3A_264 : vector<16xf32>
    %add3A_266 = arith.addf %mul3A_249, %mul3A_252 : vector<16xf32>
    %sub3A_267 = arith.subf %add3A_266, %mul3A_265 : vector<16xf32>
    %div3A = arith.divf %mul3A_265, %sub3A_267 : vector<16xf32>
    %max3A_268 = arith.constant 0.000000e+00 : f32
    %max3A_269 = vector.broadcast %max3A_268 : f32 to vector<16xf32>
    %max3A_270 = arith.maximumf %div3A, %max3A_269 : vector<16xf32>
    %max3A_271 = arith.maximumf %add3A_226, %add3A_242 : vector<16xf32>
    %min3A_272 = arith.minimumf %sub3A, %sub3A_234 : vector<16xf32>
    %sub3A_273 = arith.subf %max3A_271, %min3A_272 : vector<16xf32>
    %max3A_274 = arith.maximumf %add3A_230, %add3A_246 : vector<16xf32>
    %min3A_275 = arith.minimumf %sub3A_222, %sub3A_238 : vector<16xf32>
    %sub3A_276 = arith.subf %max3A_274, %min3A_275 : vector<16xf32>
    %mul3A_277 = arith.mulf %sub3A_273, %sub3A_276 : vector<16xf32>
    %sub3A_278 = arith.subf %mul3A_277, %sub3A_267 : vector<16xf32>
    %div3A_279 = arith.divf %sub3A_278, %mul3A_277 : vector<16xf32>
    %sub3A_280 = arith.subf %max3A_270, %div3A_279 : vector<16xf32>
    %sub3A_281 = arith.subf %gather3A, %gather3A_203 : vector<16xf32>
    %abs3A = math.absf %sub3A_281 : vector<16xf32>
    %sub3A_282 = arith.subf %gather3A_188, %gather3A_207 : vector<16xf32>
    %abs3A_283 = math.absf %sub3A_282 : vector<16xf32>
    %add3A_284 = arith.addf %abs3A, %abs3A_283 : vector<16xf32>
    %sub3A_285 = arith.subf %gather3A_192, %gather3A_211 : vector<16xf32>
    %abs3A_286 = math.absf %sub3A_285 : vector<16xf32>
    %add3A_287 = arith.addf %add3A_284, %abs3A_286 : vector<16xf32>
    %sub3A_288 = arith.subf %gather3A_196, %gather3A_215 : vector<16xf32>
    %abs3A_289 = math.absf %sub3A_288 : vector<16xf32>
    %add3A_290 = arith.addf %add3A_287, %abs3A_289 : vector<16xf32>
    %mul3A_291 = arith.constant 5.000000e+00 : f32
    %mul3A_292 = vector.broadcast %mul3A_291 : f32 to vector<16xf32>
    %mul3A_293 = arith.mulf %mul3A_292, %add3A_290 : vector<16xf32>
    %sub3A_294 = arith.constant 1.000000e+00 : f32
    %sub3A_295 = vector.broadcast %sub3A_294 : f32 to vector<16xf32>
    %sub3A_296 = arith.subf %sub3A_295, %sub3A_280 : vector<16xf32>
    %mul3A_297 = arith.constant 2.000000e+00 : f32
    %mul3A_298 = vector.broadcast %mul3A_297 : f32 to vector<16xf32>
    %mul3A_299 = arith.mulf %mul3A_298, %sub3A_296 : vector<16xf32>
    %add3A_300 = arith.addf %mul3A_293, %mul3A_299 : vector<16xf32>
    %select_n3A = arith.select %lt3A_180, %add3A_300, %broadcast_in_dim3A_6 : vector<16xi1>, vector<16xf32>
    %add3A_301 = arith.addf %broadcast_in_dim3A_6, %select_n3A : vector<16xf32>
    %add3A_302 = arith.constant 0 : i32
    %add3A_303 = vector.broadcast %add3A_302 : i32 to vector<16xi32>
    %add3A_304 = arith.addi %min3A_184, %add3A_303 : vector<16xi32>
    tpu.vector_store_idx %arg5[%add3A_304], %broadcast_in_dim3A_8 masked %lt3A_180 : memref<1280xf32, #tpu.memory_space<vmem>>[vector<16xi32>], vector<16xf32>, vector<16xi1>
    %add3A_305 = arith.constant 384 : i32
    %add3A_306 = vector.broadcast %add3A_305 : i32 to vector<16xi32>
    %add3A_307 = arith.addi %min3A_184, %add3A_306 : vector<16xi32>
    tpu.vector_store_idx %arg5[%add3A_307], %max3A_270 masked %lt3A_180 : memref<1280xf32, #tpu.memory_space<vmem>>[vector<16xi32>], vector<16xf32>, vector<16xi1>
    %add3A_308 = arith.constant 768 : i32
    %add3A_309 = vector.broadcast %add3A_308 : i32 to vector<16xi32>
    %add3A_310 = arith.addi %min3A_184, %add3A_309 : vector<16xi32>
    tpu.vector_store_idx %arg5[%add3A_310], %get3A_175 masked %lt3A_180 : memref<1280xf32, #tpu.memory_space<vmem>>[vector<16xi32>], vector<16xf32>, vector<16xi1>
    %get3A_311 = arith.constant 1416 : index
    %get3A_312 = tpu.vector_load %arg4[%get3A_311] {strides = array<i32>} : memref<1520xf32, #tpu.memory_space<vmem>>, vector<16xf32>,
    %convert_element_type3A_313 = arith.fptosi %get3A_312 : vector<16xf32> to vector<16xi32>
    %get3A_314 = arith.constant 1472 : index
    %get3A_315 = tpu.vector_load %arg4[%get3A_314] {strides = array<i32>} : memref<1520xf32, #tpu.memory_space<vmem>>, vector<16xf32>,
    %add3A_316 = arith.constant 16 : i32
    %add3A_317 = vector.broadcast %add3A_316 : i32 to vector<16xi32>
    %add3A_318 = arith.addi %iota3A, %add3A_317 : vector<16xi32>
    %lt3A_319 = arith.constant 50 : i32
    %lt3A_320 = vector.broadcast %lt3A_319 : i32 to vector<16xi32>
    %lt3A_321 = arith.cmpi slt, %add3A_318, %lt3A_320 : vector<16xi32>
    %max3A_322 = arith.constant 0 : i32
    %max3A_323 = vector.broadcast %max3A_322 : i32 to vector<16xi32>
    %max3A_324 = arith.maxsi %convert_element_type3A_313, %max3A_323 : vector<16xi32>
    %min3A_325 = arith.constant 299 : i32
    %min3A_326 = vector.broadcast %min3A_325 : i32 to vector<16xi32>
    %min3A_327 = arith.minsi %max3A_324, %min3A_326 : vector<16xi32>
    %gather3A_328 = tpu.vector_load_idx %arg4[%min3A_327] : memref<1520xf32, #tpu.memory_space<vmem>>[vector<16xi32>], vector<16xf32>,
    %add3A_329 = arith.constant 300 : i32
    %add3A_330 = vector.broadcast %add3A_329 : i32 to vector<16xi32>
    %add3A_331 = arith.addi %min3A_327, %add3A_330 : vector<16xi32>
    %gather3A_332 = tpu.vector_load_idx %arg4[%add3A_331] : memref<1520xf32, #tpu.memory_space<vmem>>[vector<16xi32>], vector<16xf32>,
    %add3A_333 = arith.constant 600 : i32
    %add3A_334 = vector.broadcast %add3A_333 : i32 to vector<16xi32>
    %add3A_335 = arith.addi %min3A_327, %add3A_334 : vector<16xi32>
    %gather3A_336 = tpu.vector_load_idx %arg4[%add3A_335] : memref<1520xf32, #tpu.memory_space<vmem>>[vector<16xi32>], vector<16xf32>,
    %add3A_337 = arith.constant 900 : i32
    %add3A_338 = vector.broadcast %add3A_337 : i32 to vector<16xi32>
    %add3A_339 = arith.addi %min3A_327, %add3A_338 : vector<16xi32>
    %gather3A_340 = tpu.vector_load_idx %arg4[%add3A_339] : memref<1520xf32, #tpu.memory_space<vmem>>[vector<16xi32>], vector<16xf32>,
    %min3A_341 = arith.constant 49 : i32
    %min3A_342 = vector.broadcast %min3A_341 : i32 to vector<16xi32>
    %min3A_343 = arith.minsi %add3A_318, %min3A_342 : vector<16xi32>
    %add3A_344 = arith.constant 1200 : i32
    %add3A_345 = vector.broadcast %add3A_344 : i32 to vector<16xi32>
    %add3A_346 = arith.addi %add3A_345, %min3A_343 : vector<16xi32>
    %gather3A_347 = tpu.vector_load_idx %arg4[%add3A_346] : memref<1520xf32, #tpu.memory_space<vmem>>[vector<16xi32>], vector<16xf32>,
    %add3A_348 = arith.constant 50 : i32
    %add3A_349 = vector.broadcast %add3A_348 : i32 to vector<16xi32>
    %add3A_350 = arith.addi %add3A_346, %add3A_349 : vector<16xi32>
    %gather3A_351 = tpu.vector_load_idx %arg4[%add3A_350] : memref<1520xf32, #tpu.memory_space<vmem>>[vector<16xi32>], vector<16xf32>,
    %add3A_352 = arith.constant 100 : i32
    %add3A_353 = vector.broadcast %add3A_352 : i32 to vector<16xi32>
    %add3A_354 = arith.addi %add3A_346, %add3A_353 : vector<16xi32>
    %gather3A_355 = tpu.vector_load_idx %arg4[%add3A_354] : memref<1520xf32, #tpu.memory_space<vmem>>[vector<16xi32>], vector<16xf32>,
    %add3A_356 = arith.constant 150 : i32
    %add3A_357 = vector.broadcast %add3A_356 : i32 to vector<16xi32>
    %add3A_358 = arith.addi %add3A_346, %add3A_357 : vector<16xi32>
    %gather3A_359 = tpu.vector_load_idx %arg4[%add3A_358] : memref<1520xf32, #tpu.memory_space<vmem>>[vector<16xi32>], vector<16xf32>,
    %mul3A_360 = arith.constant 5.000000e-01 : f32
    %mul3A_361 = vector.broadcast %mul3A_360 : f32 to vector<16xf32>
    %mul3A_362 = arith.mulf %mul3A_361, %gather3A_336 : vector<16xf32>
    %sub3A_363 = arith.subf %gather3A_328, %mul3A_362 : vector<16xf32>
    %mul3A_364 = arith.constant 5.000000e-01 : f32
    %mul3A_365 = vector.broadcast %mul3A_364 : f32 to vector<16xf32>
    %mul3A_366 = arith.mulf %mul3A_365, %gather3A_340 : vector<16xf32>
    %sub3A_367 = arith.subf %gather3A_332, %mul3A_366 : vector<16xf32>
    %mul3A_368 = arith.constant 5.000000e-01 : f32
    %mul3A_369 = vector.broadcast %mul3A_368 : f32 to vector<16xf32>
    %mul3A_370 = arith.mulf %mul3A_369, %gather3A_336 : vector<16xf32>
    %add3A_371 = arith.addf %gather3A_328, %mul3A_370 : vector<16xf32>
    %mul3A_372 = arith.constant 5.000000e-01 : f32
    %mul3A_373 = vector.broadcast %mul3A_372 : f32 to vector<16xf32>
    %mul3A_374 = arith.mulf %mul3A_373, %gather3A_340 : vector<16xf32>
    %add3A_375 = arith.addf %gather3A_332, %mul3A_374 : vector<16xf32>
    %mul3A_376 = arith.constant 5.000000e-01 : f32
    %mul3A_377 = vector.broadcast %mul3A_376 : f32 to vector<16xf32>
    %mul3A_378 = arith.mulf %mul3A_377, %gather3A_355 : vector<16xf32>
    %sub3A_379 = arith.subf %gather3A_347, %mul3A_378 : vector<16xf32>
    %mul3A_380 = arith.constant 5.000000e-01 : f32
    %mul3A_381 = vector.broadcast %mul3A_380 : f32 to vector<16xf32>
    %mul3A_382 = arith.mulf %mul3A_381, %gather3A_359 : vector<16xf32>
    %sub3A_383 = arith.subf %gather3A_351, %mul3A_382 : vector<16xf32>
    %mul3A_384 = arith.constant 5.000000e-01 : f32
    %mul3A_385 = vector.broadcast %mul3A_384 : f32 to vector<16xf32>
    %mul3A_386 = arith.mulf %mul3A_385, %gather3A_355 : vector<16xf32>
    %add3A_387 = arith.addf %gather3A_347, %mul3A_386 : vector<16xf32>
    %mul3A_388 = arith.constant 5.000000e-01 : f32
    %mul3A_389 = vector.broadcast %mul3A_388 : f32 to vector<16xf32>
    %mul3A_390 = arith.mulf %mul3A_389, %gather3A_359 : vector<16xf32>
    %add3A_391 = arith.addf %gather3A_351, %mul3A_390 : vector<16xf32>
    %sub3A_392 = arith.subf %add3A_371, %sub3A_363 : vector<16xf32>
    %sub3A_393 = arith.subf %add3A_375, %sub3A_367 : vector<16xf32>
    %mul3A_394 = arith.mulf %sub3A_392, %sub3A_393 : vector<16xf32>
    %sub3A_395 = arith.subf %add3A_387, %sub3A_379 : vector<16xf32>
    %sub3A_396 = arith.subf %add3A_391, %sub3A_383 : vector<16xf32>
    %mul3A_397 = arith.mulf %sub3A_395, %sub3A_396 : vector<16xf32>
    %min3A_398 = arith.minimumf %add3A_371, %add3A_387 : vector<16xf32>
    %max3A_399 = arith.maximumf %sub3A_363, %sub3A_379 : vector<16xf32>
    %sub3A_400 = arith.subf %min3A_398, %max3A_399 : vector<16xf32>
    %max3A_401 = arith.constant 0.000000e+00 : f32
    %max3A_402 = vector.broadcast %max3A_401 : f32 to vector<16xf32>
    %max3A_403 = arith.maximumf %sub3A_400, %max3A_402 : vector<16xf32>
    %min3A_404 = arith.minimumf %add3A_375, %add3A_391 : vector<16xf32>
    %max3A_405 = arith.maximumf %sub3A_367, %sub3A_383 : vector<16xf32>
    %sub3A_406 = arith.subf %min3A_404, %max3A_405 : vector<16xf32>
    %max3A_407 = arith.constant 0.000000e+00 : f32
    %max3A_408 = vector.broadcast %max3A_407 : f32 to vector<16xf32>
    %max3A_409 = arith.maximumf %sub3A_406, %max3A_408 : vector<16xf32>
    %mul3A_410 = arith.mulf %max3A_403, %max3A_409 : vector<16xf32>
    %add3A_411 = arith.addf %mul3A_394, %mul3A_397 : vector<16xf32>
    %sub3A_412 = arith.subf %add3A_411, %mul3A_410 : vector<16xf32>
    %div3A_413 = arith.divf %mul3A_410, %sub3A_412 : vector<16xf32>
    %max3A_414 = arith.constant 0.000000e+00 : f32
    %max3A_415 = vector.broadcast %max3A_414 : f32 to vector<16xf32>
    %max3A_416 = arith.maximumf %div3A_413, %max3A_415 : vector<16xf32>
    %max3A_417 = arith.maximumf %add3A_371, %add3A_387 : vector<16xf32>
    %min3A_418 = arith.minimumf %sub3A_363, %sub3A_379 : vector<16xf32>
    %sub3A_419 = arith.subf %max3A_417, %min3A_418 : vector<16xf32>
    %max3A_420 = arith.maximumf %add3A_375, %add3A_391 : vector<16xf32>
    %min3A_421 = arith.minimumf %sub3A_367, %sub3A_383 : vector<16xf32>
    %sub3A_422 = arith.subf %max3A_420, %min3A_421 : vector<16xf32>
    %mul3A_423 = arith.mulf %sub3A_419, %sub3A_422 : vector<16xf32>
    %sub3A_424 = arith.subf %mul3A_423, %sub3A_412 : vector<16xf32>
    %div3A_425 = arith.divf %sub3A_424, %mul3A_423 : vector<16xf32>
    %sub3A_426 = arith.subf %max3A_416, %div3A_425 : vector<16xf32>
    %sub3A_427 = arith.subf %gather3A_328, %gather3A_347 : vector<16xf32>
    %abs3A_428 = math.absf %sub3A_427 : vector<16xf32>
    %sub3A_429 = arith.subf %gather3A_332, %gather3A_351 : vector<16xf32>
    %abs3A_430 = math.absf %sub3A_429 : vector<16xf32>
    %add3A_431 = arith.addf %abs3A_428, %abs3A_430 : vector<16xf32>
    %sub3A_432 = arith.subf %gather3A_336, %gather3A_355 : vector<16xf32>
    %abs3A_433 = math.absf %sub3A_432 : vector<16xf32>
    %add3A_434 = arith.addf %add3A_431, %abs3A_433 : vector<16xf32>
    %sub3A_435 = arith.subf %gather3A_340, %gather3A_359 : vector<16xf32>
    %abs3A_436 = math.absf %sub3A_435 : vector<16xf32>
    %add3A_437 = arith.addf %add3A_434, %abs3A_436 : vector<16xf32>
    %mul3A_438 = arith.constant 5.000000e+00 : f32
    %mul3A_439 = vector.broadcast %mul3A_438 : f32 to vector<16xf32>
    %mul3A_440 = arith.mulf %mul3A_439, %add3A_437 : vector<16xf32>
    %sub3A_441 = arith.constant 1.000000e+00 : f32
    %sub3A_442 = vector.broadcast %sub3A_441 : f32 to vector<16xf32>
    %sub3A_443 = arith.subf %sub3A_442, %sub3A_426 : vector<16xf32>
    %mul3A_444 = arith.constant 2.000000e+00 : f32
    %mul3A_445 = vector.broadcast %mul3A_444 : f32 to vector<16xf32>
    %mul3A_446 = arith.mulf %mul3A_445, %sub3A_443 : vector<16xf32>
    %add3A_447 = arith.addf %mul3A_440, %mul3A_446 : vector<16xf32>
    %select_n3A_448 = arith.select %lt3A_321, %add3A_447, %broadcast_in_dim3A_6 : vector<16xi1>, vector<16xf32>
    %add3A_449 = arith.addf %add3A_301, %select_n3A_448 : vector<16xf32>
    %add3A_450 = arith.constant 0 : i32
    %add3A_451 = vector.broadcast %add3A_450 : i32 to vector<16xi32>
    %add3A_452 = arith.addi %min3A_327, %add3A_451 : vector<16xi32>
    tpu.vector_store_idx %arg5[%add3A_452], %broadcast_in_dim3A_8 masked %lt3A_321 : memref<1280xf32, #tpu.memory_space<vmem>>[vector<16xi32>], vector<16xf32>, vector<16xi1>
    %add3A_453 = arith.constant 384 : i32
    %add3A_454 = vector.broadcast %add3A_453 : i32 to vector<16xi32>
    %add3A_455 = arith.addi %min3A_327, %add3A_454 : vector<16xi32>
    tpu.vector_store_idx %arg5[%add3A_455], %max3A_416 masked %lt3A_321 : memref<1280xf32, #tpu.memory_space<vmem>>[vector<16xi32>], vector<16xf32>, vector<16xi1>
    %add3A_456 = arith.constant 768 : i32
    %add3A_457 = vector.broadcast %add3A_456 : i32 to vector<16xi32>
    %add3A_458 = arith.addi %min3A_327, %add3A_457 : vector<16xi32>
    tpu.vector_store_idx %arg5[%add3A_458], %get3A_315 masked %lt3A_321 : memref<1280xf32, #tpu.memory_space<vmem>>[vector<16xi32>], vector<16xf32>, vector<16xi1>
    %get3A_459 = arith.constant 1432 : index
    %get3A_460 = tpu.vector_load %arg4[%get3A_459] {strides = array<i32>} : memref<1520xf32, #tpu.memory_space<vmem>>, vector<16xf32>,
    %convert_element_type3A_461 = arith.fptosi %get3A_460 : vector<16xf32> to vector<16xi32>
    %get3A_462 = arith.constant 1488 : index
    %get3A_463 = tpu.vector_load %arg4[%get3A_462] {strides = array<i32>} : memref<1520xf32, #tpu.memory_space<vmem>>, vector<16xf32>,
    %add3A_464 = arith.constant 32 : i32
    %add3A_465 = vector.broadcast %add3A_464 : i32 to vector<16xi32>
    %add3A_466 = arith.addi %iota3A, %add3A_465 : vector<16xi32>
    %lt3A_467 = arith.constant 50 : i32
    %lt3A_468 = vector.broadcast %lt3A_467 : i32 to vector<16xi32>
    %lt3A_469 = arith.cmpi slt, %add3A_466, %lt3A_468 : vector<16xi32>
    %max3A_470 = arith.constant 0 : i32
    %max3A_471 = vector.broadcast %max3A_470 : i32 to vector<16xi32>
    %max3A_472 = arith.maxsi %convert_element_type3A_461, %max3A_471 : vector<16xi32>
    %min3A_473 = arith.constant 299 : i32
    %min3A_474 = vector.broadcast %min3A_473 : i32 to vector<16xi32>
    %min3A_475 = arith.minsi %max3A_472, %min3A_474 : vector<16xi32>
    %gather3A_476 = tpu.vector_load_idx %arg4[%min3A_475] : memref<1520xf32, #tpu.memory_space<vmem>>[vector<16xi32>], vector<16xf32>,
    %add3A_477 = arith.constant 300 : i32
    %add3A_478 = vector.broadcast %add3A_477 : i32 to vector<16xi32>
    %add3A_479 = arith.addi %min3A_475, %add3A_478 : vector<16xi32>
    %gather3A_480 = tpu.vector_load_idx %arg4[%add3A_479] : memref<1520xf32, #tpu.memory_space<vmem>>[vector<16xi32>], vector<16xf32>,
    %add3A_481 = arith.constant 600 : i32
    %add3A_482 = vector.broadcast %add3A_481 : i32 to vector<16xi32>
    %add3A_483 = arith.addi %min3A_475, %add3A_482 : vector<16xi32>
    %gather3A_484 = tpu.vector_load_idx %arg4[%add3A_483] : memref<1520xf32, #tpu.memory_space<vmem>>[vector<16xi32>], vector<16xf32>,
    %add3A_485 = arith.constant 900 : i32
    %add3A_486 = vector.broadcast %add3A_485 : i32 to vector<16xi32>
    %add3A_487 = arith.addi %min3A_475, %add3A_486 : vector<16xi32>
    %gather3A_488 = tpu.vector_load_idx %arg4[%add3A_487] : memref<1520xf32, #tpu.memory_space<vmem>>[vector<16xi32>], vector<16xf32>,
    %min3A_489 = arith.constant 49 : i32
    %min3A_490 = vector.broadcast %min3A_489 : i32 to vector<16xi32>
    %min3A_491 = arith.minsi %add3A_466, %min3A_490 : vector<16xi32>
    %add3A_492 = arith.constant 1200 : i32
    %add3A_493 = vector.broadcast %add3A_492 : i32 to vector<16xi32>
    %add3A_494 = arith.addi %add3A_493, %min3A_491 : vector<16xi32>
    %gather3A_495 = tpu.vector_load_idx %arg4[%add3A_494] : memref<1520xf32, #tpu.memory_space<vmem>>[vector<16xi32>], vector<16xf32>,
    %add3A_496 = arith.constant 50 : i32
    %add3A_497 = vector.broadcast %add3A_496 : i32 to vector<16xi32>
    %add3A_498 = arith.addi %add3A_494, %add3A_497 : vector<16xi32>
    %gather3A_499 = tpu.vector_load_idx %arg4[%add3A_498] : memref<1520xf32, #tpu.memory_space<vmem>>[vector<16xi32>], vector<16xf32>,
    %add3A_500 = arith.constant 100 : i32
    %add3A_501 = vector.broadcast %add3A_500 : i32 to vector<16xi32>
    %add3A_502 = arith.addi %add3A_494, %add3A_501 : vector<16xi32>
    %gather3A_503 = tpu.vector_load_idx %arg4[%add3A_502] : memref<1520xf32, #tpu.memory_space<vmem>>[vector<16xi32>], vector<16xf32>,
    %add3A_504 = arith.constant 150 : i32
    %add3A_505 = vector.broadcast %add3A_504 : i32 to vector<16xi32>
    %add3A_506 = arith.addi %add3A_494, %add3A_505 : vector<16xi32>
    %gather3A_507 = tpu.vector_load_idx %arg4[%add3A_506] : memref<1520xf32, #tpu.memory_space<vmem>>[vector<16xi32>], vector<16xf32>,
    %mul3A_508 = arith.constant 5.000000e-01 : f32
    %mul3A_509 = vector.broadcast %mul3A_508 : f32 to vector<16xf32>
    %mul3A_510 = arith.mulf %mul3A_509, %gather3A_484 : vector<16xf32>
    %sub3A_511 = arith.subf %gather3A_476, %mul3A_510 : vector<16xf32>
    %mul3A_512 = arith.constant 5.000000e-01 : f32
    %mul3A_513 = vector.broadcast %mul3A_512 : f32 to vector<16xf32>
    %mul3A_514 = arith.mulf %mul3A_513, %gather3A_488 : vector<16xf32>
    %sub3A_515 = arith.subf %gather3A_480, %mul3A_514 : vector<16xf32>
    %mul3A_516 = arith.constant 5.000000e-01 : f32
    %mul3A_517 = vector.broadcast %mul3A_516 : f32 to vector<16xf32>
    %mul3A_518 = arith.mulf %mul3A_517, %gather3A_484 : vector<16xf32>
    %add3A_519 = arith.addf %gather3A_476, %mul3A_518 : vector<16xf32>
    %mul3A_520 = arith.constant 5.000000e-01 : f32
    %mul3A_521 = vector.broadcast %mul3A_520 : f32 to vector<16xf32>
    %mul3A_522 = arith.mulf %mul3A_521, %gather3A_488 : vector<16xf32>
    %add3A_523 = arith.addf %gather3A_480, %mul3A_522 : vector<16xf32>
    %mul3A_524 = arith.constant 5.000000e-01 : f32
    %mul3A_525 = vector.broadcast %mul3A_524 : f32 to vector<16xf32>
    %mul3A_526 = arith.mulf %mul3A_525, %gather3A_503 : vector<16xf32>
    %sub3A_527 = arith.subf %gather3A_495, %mul3A_526 : vector<16xf32>
    %mul3A_528 = arith.constant 5.000000e-01 : f32
    %mul3A_529 = vector.broadcast %mul3A_528 : f32 to vector<16xf32>
    %mul3A_530 = arith.mulf %mul3A_529, %gather3A_507 : vector<16xf32>
    %sub3A_531 = arith.subf %gather3A_499, %mul3A_530 : vector<16xf32>
    %mul3A_532 = arith.constant 5.000000e-01 : f32
    %mul3A_533 = vector.broadcast %mul3A_532 : f32 to vector<16xf32>
    %mul3A_534 = arith.mulf %mul3A_533, %gather3A_503 : vector<16xf32>
    %add3A_535 = arith.addf %gather3A_495, %mul3A_534 : vector<16xf32>
    %mul3A_536 = arith.constant 5.000000e-01 : f32
    %mul3A_537 = vector.broadcast %mul3A_536 : f32 to vector<16xf32>
    %mul3A_538 = arith.mulf %mul3A_537, %gather3A_507 : vector<16xf32>
    %add3A_539 = arith.addf %gather3A_499, %mul3A_538 : vector<16xf32>
    %sub3A_540 = arith.subf %add3A_519, %sub3A_511 : vector<16xf32>
    %sub3A_541 = arith.subf %add3A_523, %sub3A_515 : vector<16xf32>
    %mul3A_542 = arith.mulf %sub3A_540, %sub3A_541 : vector<16xf32>
    %sub3A_543 = arith.subf %add3A_535, %sub3A_527 : vector<16xf32>
    %sub3A_544 = arith.subf %add3A_539, %sub3A_531 : vector<16xf32>
    %mul3A_545 = arith.mulf %sub3A_543, %sub3A_544 : vector<16xf32>
    %min3A_546 = arith.minimumf %add3A_519, %add3A_535 : vector<16xf32>
    %max3A_547 = arith.maximumf %sub3A_511, %sub3A_527 : vector<16xf32>
    %sub3A_548 = arith.subf %min3A_546, %max3A_547 : vector<16xf32>
    %max3A_549 = arith.constant 0.000000e+00 : f32
    %max3A_550 = vector.broadcast %max3A_549 : f32 to vector<16xf32>
    %max3A_551 = arith.maximumf %sub3A_548, %max3A_550 : vector<16xf32>
    %min3A_552 = arith.minimumf %add3A_523, %add3A_539 : vector<16xf32>
    %max3A_553 = arith.maximumf %sub3A_515, %sub3A_531 : vector<16xf32>
    %sub3A_554 = arith.subf %min3A_552, %max3A_553 : vector<16xf32>
    %max3A_555 = arith.constant 0.000000e+00 : f32
    %max3A_556 = vector.broadcast %max3A_555 : f32 to vector<16xf32>
    %max3A_557 = arith.maximumf %sub3A_554, %max3A_556 : vector<16xf32>
    %mul3A_558 = arith.mulf %max3A_551, %max3A_557 : vector<16xf32>
    %add3A_559 = arith.addf %mul3A_542, %mul3A_545 : vector<16xf32>
    %sub3A_560 = arith.subf %add3A_559, %mul3A_558 : vector<16xf32>
    %div3A_561 = arith.divf %mul3A_558, %sub3A_560 : vector<16xf32>
    %max3A_562 = arith.constant 0.000000e+00 : f32
    %max3A_563 = vector.broadcast %max3A_562 : f32 to vector<16xf32>
    %max3A_564 = arith.maximumf %div3A_561, %max3A_563 : vector<16xf32>
    %max3A_565 = arith.maximumf %add3A_519, %add3A_535 : vector<16xf32>
    %min3A_566 = arith.minimumf %sub3A_511, %sub3A_527 : vector<16xf32>
    %sub3A_567 = arith.subf %max3A_565, %min3A_566 : vector<16xf32>
    %max3A_568 = arith.maximumf %add3A_523, %add3A_539 : vector<16xf32>
    %min3A_569 = arith.minimumf %sub3A_515, %sub3A_531 : vector<16xf32>
    %sub3A_570 = arith.subf %max3A_568, %min3A_569 : vector<16xf32>
    %mul3A_571 = arith.mulf %sub3A_567, %sub3A_570 : vector<16xf32>
    %sub3A_572 = arith.subf %mul3A_571, %sub3A_560 : vector<16xf32>
    %div3A_573 = arith.divf %sub3A_572, %mul3A_571 : vector<16xf32>
    %sub3A_574 = arith.subf %max3A_564, %div3A_573 : vector<16xf32>
    %sub3A_575 = arith.subf %gather3A_476, %gather3A_495 : vector<16xf32>
    %abs3A_576 = math.absf %sub3A_575 : vector<16xf32>
    %sub3A_577 = arith.subf %gather3A_480, %gather3A_499 : vector<16xf32>
    %abs3A_578 = math.absf %sub3A_577 : vector<16xf32>
    %add3A_579 = arith.addf %abs3A_576, %abs3A_578 : vector<16xf32>
    %sub3A_580 = arith.subf %gather3A_484, %gather3A_503 : vector<16xf32>
    %abs3A_581 = math.absf %sub3A_580 : vector<16xf32>
    %add3A_582 = arith.addf %add3A_579, %abs3A_581 : vector<16xf32>
    %sub3A_583 = arith.subf %gather3A_488, %gather3A_507 : vector<16xf32>
    %abs3A_584 = math.absf %sub3A_583 : vector<16xf32>
    %add3A_585 = arith.addf %add3A_582, %abs3A_584 : vector<16xf32>
    %mul3A_586 = arith.constant 5.000000e+00 : f32
    %mul3A_587 = vector.broadcast %mul3A_586 : f32 to vector<16xf32>
    %mul3A_588 = arith.mulf %mul3A_587, %add3A_585 : vector<16xf32>
    %sub3A_589 = arith.constant 1.000000e+00 : f32
    %sub3A_590 = vector.broadcast %sub3A_589 : f32 to vector<16xf32>
    %sub3A_591 = arith.subf %sub3A_590, %sub3A_574 : vector<16xf32>
    %mul3A_592 = arith.constant 2.000000e+00 : f32
    %mul3A_593 = vector.broadcast %mul3A_592 : f32 to vector<16xf32>
    %mul3A_594 = arith.mulf %mul3A_593, %sub3A_591 : vector<16xf32>
    %add3A_595 = arith.addf %mul3A_588, %mul3A_594 : vector<16xf32>
    %select_n3A_596 = arith.select %lt3A_469, %add3A_595, %broadcast_in_dim3A_6 : vector<16xi1>, vector<16xf32>
    %add3A_597 = arith.addf %add3A_449, %select_n3A_596 : vector<16xf32>
    %add3A_598 = arith.constant 0 : i32
    %add3A_599 = vector.broadcast %add3A_598 : i32 to vector<16xi32>
    %add3A_600 = arith.addi %min3A_475, %add3A_599 : vector<16xi32>
    tpu.vector_store_idx %arg5[%add3A_600], %broadcast_in_dim3A_8 masked %lt3A_469 : memref<1280xf32, #tpu.memory_space<vmem>>[vector<16xi32>], vector<16xf32>, vector<16xi1>
    %add3A_601 = arith.constant 384 : i32
    %add3A_602 = vector.broadcast %add3A_601 : i32 to vector<16xi32>
    %add3A_603 = arith.addi %min3A_475, %add3A_602 : vector<16xi32>
    tpu.vector_store_idx %arg5[%add3A_603], %max3A_564 masked %lt3A_469 : memref<1280xf32, #tpu.memory_space<vmem>>[vector<16xi32>], vector<16xf32>, vector<16xi1>
    %add3A_604 = arith.constant 768 : i32
    %add3A_605 = vector.broadcast %add3A_604 : i32 to vector<16xi32>
    %add3A_606 = arith.addi %min3A_475, %add3A_605 : vector<16xi32>
    tpu.vector_store_idx %arg5[%add3A_606], %get3A_463 masked %lt3A_469 : memref<1280xf32, #tpu.memory_space<vmem>>[vector<16xi32>], vector<16xf32>, vector<16xi1>
    %get3A_607 = arith.constant 1448 : index
    %get3A_608 = tpu.vector_load %arg4[%get3A_607] {strides = array<i32>} : memref<1520xf32, #tpu.memory_space<vmem>>, vector<16xf32>,
    %convert_element_type3A_609 = arith.fptosi %get3A_608 : vector<16xf32> to vector<16xi32>
    %get3A_610 = arith.constant 1504 : index
    %get3A_611 = tpu.vector_load %arg4[%get3A_610] {strides = array<i32>} : memref<1520xf32, #tpu.memory_space<vmem>>, vector<16xf32>,
    %add3A_612 = arith.constant 48 : i32
    %add3A_613 = vector.broadcast %add3A_612 : i32 to vector<16xi32>
    %add3A_614 = arith.addi %iota3A, %add3A_613 : vector<16xi32>
    %lt3A_615 = arith.constant 50 : i32
    %lt3A_616 = vector.broadcast %lt3A_615 : i32 to vector<16xi32>
    %lt3A_617 = arith.cmpi slt, %add3A_614, %lt3A_616 : vector<16xi32>
    %max3A_618 = arith.constant 0 : i32
    %max3A_619 = vector.broadcast %max3A_618 : i32 to vector<16xi32>
    %max3A_620 = arith.maxsi %convert_element_type3A_609, %max3A_619 : vector<16xi32>
    %min3A_621 = arith.constant 299 : i32
    %min3A_622 = vector.broadcast %min3A_621 : i32 to vector<16xi32>
    %min3A_623 = arith.minsi %max3A_620, %min3A_622 : vector<16xi32>
    %gather3A_624 = tpu.vector_load_idx %arg4[%min3A_623] : memref<1520xf32, #tpu.memory_space<vmem>>[vector<16xi32>], vector<16xf32>,
    %add3A_625 = arith.constant 300 : i32
    %add3A_626 = vector.broadcast %add3A_625 : i32 to vector<16xi32>
    %add3A_627 = arith.addi %min3A_623, %add3A_626 : vector<16xi32>
    %gather3A_628 = tpu.vector_load_idx %arg4[%add3A_627] : memref<1520xf32, #tpu.memory_space<vmem>>[vector<16xi32>], vector<16xf32>,
    %add3A_629 = arith.constant 600 : i32
    %add3A_630 = vector.broadcast %add3A_629 : i32 to vector<16xi32>
    %add3A_631 = arith.addi %min3A_623, %add3A_630 : vector<16xi32>
    %gather3A_632 = tpu.vector_load_idx %arg4[%add3A_631] : memref<1520xf32, #tpu.memory_space<vmem>>[vector<16xi32>], vector<16xf32>,
    %add3A_633 = arith.constant 900 : i32
    %add3A_634 = vector.broadcast %add3A_633 : i32 to vector<16xi32>
    %add3A_635 = arith.addi %min3A_623, %add3A_634 : vector<16xi32>
    %gather3A_636 = tpu.vector_load_idx %arg4[%add3A_635] : memref<1520xf32, #tpu.memory_space<vmem>>[vector<16xi32>], vector<16xf32>,
    %min3A_637 = arith.constant 49 : i32
    %min3A_638 = vector.broadcast %min3A_637 : i32 to vector<16xi32>
    %min3A_639 = arith.minsi %add3A_614, %min3A_638 : vector<16xi32>
    %add3A_640 = arith.constant 1200 : i32
    %add3A_641 = vector.broadcast %add3A_640 : i32 to vector<16xi32>
    %add3A_642 = arith.addi %add3A_641, %min3A_639 : vector<16xi32>
    %gather3A_643 = tpu.vector_load_idx %arg4[%add3A_642] : memref<1520xf32, #tpu.memory_space<vmem>>[vector<16xi32>], vector<16xf32>,
    %add3A_644 = arith.constant 50 : i32
    %add3A_645 = vector.broadcast %add3A_644 : i32 to vector<16xi32>
    %add3A_646 = arith.addi %add3A_642, %add3A_645 : vector<16xi32>
    %gather3A_647 = tpu.vector_load_idx %arg4[%add3A_646] : memref<1520xf32, #tpu.memory_space<vmem>>[vector<16xi32>], vector<16xf32>,
    %add3A_648 = arith.constant 100 : i32
    %add3A_649 = vector.broadcast %add3A_648 : i32 to vector<16xi32>
    %add3A_650 = arith.addi %add3A_642, %add3A_649 : vector<16xi32>
    %gather3A_651 = tpu.vector_load_idx %arg4[%add3A_650] : memref<1520xf32, #tpu.memory_space<vmem>>[vector<16xi32>], vector<16xf32>,
    %add3A_652 = arith.constant 150 : i32
    %add3A_653 = vector.broadcast %add3A_652 : i32 to vector<16xi32>
    %add3A_654 = arith.addi %add3A_642, %add3A_653 : vector<16xi32>
    %gather3A_655 = tpu.vector_load_idx %arg4[%add3A_654] : memref<1520xf32, #tpu.memory_space<vmem>>[vector<16xi32>], vector<16xf32>,
    %mul3A_656 = arith.constant 5.000000e-01 : f32
    %mul3A_657 = vector.broadcast %mul3A_656 : f32 to vector<16xf32>
    %mul3A_658 = arith.mulf %mul3A_657, %gather3A_632 : vector<16xf32>
    %sub3A_659 = arith.subf %gather3A_624, %mul3A_658 : vector<16xf32>
    %mul3A_660 = arith.constant 5.000000e-01 : f32
    %mul3A_661 = vector.broadcast %mul3A_660 : f32 to vector<16xf32>
    %mul3A_662 = arith.mulf %mul3A_661, %gather3A_636 : vector<16xf32>
    %sub3A_663 = arith.subf %gather3A_628, %mul3A_662 : vector<16xf32>
    %mul3A_664 = arith.constant 5.000000e-01 : f32
    %mul3A_665 = vector.broadcast %mul3A_664 : f32 to vector<16xf32>
    %mul3A_666 = arith.mulf %mul3A_665, %gather3A_632 : vector<16xf32>
    %add3A_667 = arith.addf %gather3A_624, %mul3A_666 : vector<16xf32>
    %mul3A_668 = arith.constant 5.000000e-01 : f32
    %mul3A_669 = vector.broadcast %mul3A_668 : f32 to vector<16xf32>
    %mul3A_670 = arith.mulf %mul3A_669, %gather3A_636 : vector<16xf32>
    %add3A_671 = arith.addf %gather3A_628, %mul3A_670 : vector<16xf32>
    %mul3A_672 = arith.constant 5.000000e-01 : f32
    %mul3A_673 = vector.broadcast %mul3A_672 : f32 to vector<16xf32>
    %mul3A_674 = arith.mulf %mul3A_673, %gather3A_651 : vector<16xf32>
    %sub3A_675 = arith.subf %gather3A_643, %mul3A_674 : vector<16xf32>
    %mul3A_676 = arith.constant 5.000000e-01 : f32
    %mul3A_677 = vector.broadcast %mul3A_676 : f32 to vector<16xf32>
    %mul3A_678 = arith.mulf %mul3A_677, %gather3A_655 : vector<16xf32>
    %sub3A_679 = arith.subf %gather3A_647, %mul3A_678 : vector<16xf32>
    %mul3A_680 = arith.constant 5.000000e-01 : f32
    %mul3A_681 = vector.broadcast %mul3A_680 : f32 to vector<16xf32>
    %mul3A_682 = arith.mulf %mul3A_681, %gather3A_651 : vector<16xf32>
    %add3A_683 = arith.addf %gather3A_643, %mul3A_682 : vector<16xf32>
    %mul3A_684 = arith.constant 5.000000e-01 : f32
    %mul3A_685 = vector.broadcast %mul3A_684 : f32 to vector<16xf32>
    %mul3A_686 = arith.mulf %mul3A_685, %gather3A_655 : vector<16xf32>
    %add3A_687 = arith.addf %gather3A_647, %mul3A_686 : vector<16xf32>
    %sub3A_688 = arith.subf %add3A_667, %sub3A_659 : vector<16xf32>
    %sub3A_689 = arith.subf %add3A_671, %sub3A_663 : vector<16xf32>
    %mul3A_690 = arith.mulf %sub3A_688, %sub3A_689 : vector<16xf32>
    %sub3A_691 = arith.subf %add3A_683, %sub3A_675 : vector<16xf32>
    %sub3A_692 = arith.subf %add3A_687, %sub3A_679 : vector<16xf32>
    %mul3A_693 = arith.mulf %sub3A_691, %sub3A_692 : vector<16xf32>
    %min3A_694 = arith.minimumf %add3A_667, %add3A_683 : vector<16xf32>
    %max3A_695 = arith.maximumf %sub3A_659, %sub3A_675 : vector<16xf32>
    %sub3A_696 = arith.subf %min3A_694, %max3A_695 : vector<16xf32>
    %max3A_697 = arith.constant 0.000000e+00 : f32
    %max3A_698 = vector.broadcast %max3A_697 : f32 to vector<16xf32>
    %max3A_699 = arith.maximumf %sub3A_696, %max3A_698 : vector<16xf32>
    %min3A_700 = arith.minimumf %add3A_671, %add3A_687 : vector<16xf32>
    %max3A_701 = arith.maximumf %sub3A_663, %sub3A_679 : vector<16xf32>
    %sub3A_702 = arith.subf %min3A_700, %max3A_701 : vector<16xf32>
    %max3A_703 = arith.constant 0.000000e+00 : f32
    %max3A_704 = vector.broadcast %max3A_703 : f32 to vector<16xf32>
    %max3A_705 = arith.maximumf %sub3A_702, %max3A_704 : vector<16xf32>
    %mul3A_706 = arith.mulf %max3A_699, %max3A_705 : vector<16xf32>
    %add3A_707 = arith.addf %mul3A_690, %mul3A_693 : vector<16xf32>
    %sub3A_708 = arith.subf %add3A_707, %mul3A_706 : vector<16xf32>
    %div3A_709 = arith.divf %mul3A_706, %sub3A_708 : vector<16xf32>
    %max3A_710 = arith.constant 0.000000e+00 : f32
    %max3A_711 = vector.broadcast %max3A_710 : f32 to vector<16xf32>
    %max3A_712 = arith.maximumf %div3A_709, %max3A_711 : vector<16xf32>
    %max3A_713 = arith.maximumf %add3A_667, %add3A_683 : vector<16xf32>
    %min3A_714 = arith.minimumf %sub3A_659, %sub3A_675 : vector<16xf32>
    %sub3A_715 = arith.subf %max3A_713, %min3A_714 : vector<16xf32>
    %max3A_716 = arith.maximumf %add3A_671, %add3A_687 : vector<16xf32>
    %min3A_717 = arith.minimumf %sub3A_663, %sub3A_679 : vector<16xf32>
    %sub3A_718 = arith.subf %max3A_716, %min3A_717 : vector<16xf32>
    %mul3A_719 = arith.mulf %sub3A_715, %sub3A_718 : vector<16xf32>
    %sub3A_720 = arith.subf %mul3A_719, %sub3A_708 : vector<16xf32>
    %div3A_721 = arith.divf %sub3A_720, %mul3A_719 : vector<16xf32>
    %sub3A_722 = arith.subf %max3A_712, %div3A_721 : vector<16xf32>
    %sub3A_723 = arith.subf %gather3A_624, %gather3A_643 : vector<16xf32>
    %abs3A_724 = math.absf %sub3A_723 : vector<16xf32>
    %sub3A_725 = arith.subf %gather3A_628, %gather3A_647 : vector<16xf32>
    %abs3A_726 = math.absf %sub3A_725 : vector<16xf32>
    %add3A_727 = arith.addf %abs3A_724, %abs3A_726 : vector<16xf32>
    %sub3A_728 = arith.subf %gather3A_632, %gather3A_651 : vector<16xf32>
    %abs3A_729 = math.absf %sub3A_728 : vector<16xf32>
    %add3A_730 = arith.addf %add3A_727, %abs3A_729 : vector<16xf32>
    %sub3A_731 = arith.subf %gather3A_636, %gather3A_655 : vector<16xf32>
    %abs3A_732 = math.absf %sub3A_731 : vector<16xf32>
    %add3A_733 = arith.addf %add3A_730, %abs3A_732 : vector<16xf32>
    %mul3A_734 = arith.constant 5.000000e+00 : f32
    %mul3A_735 = vector.broadcast %mul3A_734 : f32 to vector<16xf32>
    %mul3A_736 = arith.mulf %mul3A_735, %add3A_733 : vector<16xf32>
    %sub3A_737 = arith.constant 1.000000e+00 : f32
    %sub3A_738 = vector.broadcast %sub3A_737 : f32 to vector<16xf32>
    %sub3A_739 = arith.subf %sub3A_738, %sub3A_722 : vector<16xf32>
    %mul3A_740 = arith.constant 2.000000e+00 : f32
    %mul3A_741 = vector.broadcast %mul3A_740 : f32 to vector<16xf32>
    %mul3A_742 = arith.mulf %mul3A_741, %sub3A_739 : vector<16xf32>
    %add3A_743 = arith.addf %mul3A_736, %mul3A_742 : vector<16xf32>
    %select_n3A_744 = arith.select %lt3A_617, %add3A_743, %broadcast_in_dim3A_6 : vector<16xi1>, vector<16xf32>
    %add3A_745 = arith.addf %add3A_597, %select_n3A_744 : vector<16xf32>
    %add3A_746 = arith.constant 0 : i32
    %add3A_747 = vector.broadcast %add3A_746 : i32 to vector<16xi32>
    %add3A_748 = arith.addi %min3A_623, %add3A_747 : vector<16xi32>
    tpu.vector_store_idx %arg5[%add3A_748], %broadcast_in_dim3A_8 masked %lt3A_617 : memref<1280xf32, #tpu.memory_space<vmem>>[vector<16xi32>], vector<16xf32>, vector<16xi1>
    %add3A_749 = arith.constant 384 : i32
    %add3A_750 = vector.broadcast %add3A_749 : i32 to vector<16xi32>
    %add3A_751 = arith.addi %min3A_623, %add3A_750 : vector<16xi32>
    tpu.vector_store_idx %arg5[%add3A_751], %max3A_712 masked %lt3A_617 : memref<1280xf32, #tpu.memory_space<vmem>>[vector<16xi32>], vector<16xf32>, vector<16xi1>
    %add3A_752 = arith.constant 768 : i32
    %add3A_753 = vector.broadcast %add3A_752 : i32 to vector<16xi32>
    %add3A_754 = arith.addi %min3A_623, %add3A_753 : vector<16xi32>
    tpu.vector_store_idx %arg5[%add3A_754], %get3A_611 masked %lt3A_617 : memref<1280xf32, #tpu.memory_space<vmem>>[vector<16xi32>], vector<16xf32>, vector<16xi1>
    %swap3A_755 = arith.constant 1152 : index
    %swap3A_756 = tpu.vector_load %arg5[%swap3A_755] {strides = array<i32>} : memref<1280xf32, #tpu.memory_space<vmem>>, vector<16xf32>,
    tpu.vector_store %arg5[%swap3A_755], %add3A_745 {strides = array<i32>} : memref<1280xf32, #tpu.memory_space<vmem>>, vector<16xf32>,
    %dma_start3A_757 = arith.constant 0 : i32
    %dma_start3A_758 = tpu.memref_slice %arg3[%add3A, %dma_start3A_757] : memref<32x1280xf32, #tpu.memory_space<hbm>> -> memref<1x1280xf32, #tpu.memory_space<hbm>>
    %dma_start3A_759 = tpu.memref_squeeze %dma_start3A_758 : memref<1x1280xf32, #tpu.memory_space<hbm>> -> memref<1280xf32, #tpu.memory_space<hbm>>
    %dma_start3A_760 = arith.constant 0 : i32
    %dma_start3A_761 = tpu.memref_slice %arg3[%add3A, %dma_start3A_760] : memref<32x1280xf32, #tpu.memory_space<hbm>> -> memref<1x1280xf32, #tpu.memory_space<hbm>>
    %dma_start3A_762 = tpu.memref_squeeze %dma_start3A_761 : memref<1x1280xf32, #tpu.memory_space<hbm>> -> memref<1280xf32, #tpu.memory_space<hbm>>
    tpu.enqueue_dma source(%arg5 : memref<1280xf32, #tpu.memory_space<vmem>>) target(%dma_start3A_762 : memref<1280xf32, #tpu.memory_space<hbm>>) target_semaphore(%arg6 : memref<!tpu.dma_semaphore, #tpu.memory_space<semaphore_mem>>)
    %dma_wait3A_763 = arith.constant 0 : i32
    %dma_wait3A_764 = tpu.memref_slice %arg3[%add3A, %dma_wait3A_763] : memref<32x1280xf32, #tpu.memory_space<hbm>> -> memref<1x1280xf32, #tpu.memory_space<hbm>>
    %dma_wait3A_765 = tpu.memref_squeeze %dma_wait3A_764 : memref<1x1280xf32, #tpu.memory_space<hbm>> -> memref<1280xf32, #tpu.memory_space<hbm>>
    %dma_wait3A_766 = arith.constant 0 : i32
    %dma_wait3A_767 = tpu.memref_slice %arg3[%add3A, %dma_wait3A_766] : memref<32x1280xf32, #tpu.memory_space<hbm>> -> memref<1x1280xf32, #tpu.memory_space<hbm>>
    %dma_wait3A_768 = tpu.memref_squeeze %dma_wait3A_767 : memref<1x1280xf32, #tpu.memory_space<hbm>> -> memref<1280xf32, #tpu.memory_space<hbm>>
    tpu.wait_dma2 semaphore(%arg6 : memref<!tpu.dma_semaphore, #tpu.memory_space<semaphore_mem>>) src(%arg5 : memref<1280xf32, #tpu.memory_space<vmem>>) dst(%dma_wait3A_768 : memref<1280xf32, #tpu.memory_space<hbm>>)
    return
  }
}

module attributes {stable_mosaic.version = 14 : i64} {
  func.func @_pack_body(%arg0: memref<32x4x300xf32, #tpu.memory_space<hbm>>, %arg1: memref<32x4x50xf32, #tpu.memory_space<hbm>>, %arg2: memref<32x50xi32, #tpu.memory_space<hbm>>, %arg3: memref<32x50xi32, #tpu.memory_space<hbm>>, %arg4: memref<32x1520xf32, #tpu.memory_space<vmem>>, %arg5: memref<32x4x300xf32, #tpu.memory_space<vmem>>, %arg6: memref<32x4x50xf32, #tpu.memory_space<vmem>>, %arg7: memref<32x50xi32, #tpu.memory_space<vmem>>, %arg8: memref<32x50xi32, #tpu.memory_space<vmem>>, %arg9: memref<!tpu.dma_semaphore, #tpu.memory_space<semaphore_mem>>) attributes {dimension_semantics = [], scalar_prefetch = 0 : i64, scratch_operands = 5 : i64, tpu.core_type = #tpu.core_type<tc>} {
    tpu.enqueue_dma source(%arg0 : memref<32x4x300xf32, #tpu.memory_space<hbm>>) target(%arg5 : memref<32x4x300xf32, #tpu.memory_space<vmem>>) target_semaphore(%arg9 : memref<!tpu.dma_semaphore, #tpu.memory_space<semaphore_mem>>)
    tpu.enqueue_dma source(%arg1 : memref<32x4x50xf32, #tpu.memory_space<hbm>>) target(%arg6 : memref<32x4x50xf32, #tpu.memory_space<vmem>>) target_semaphore(%arg9 : memref<!tpu.dma_semaphore, #tpu.memory_space<semaphore_mem>>)
    tpu.enqueue_dma source(%arg2 : memref<32x50xi32, #tpu.memory_space<hbm>>) target(%arg7 : memref<32x50xi32, #tpu.memory_space<vmem>>) target_semaphore(%arg9 : memref<!tpu.dma_semaphore, #tpu.memory_space<semaphore_mem>>)
    tpu.enqueue_dma source(%arg3 : memref<32x50xi32, #tpu.memory_space<hbm>>) target(%arg8 : memref<32x50xi32, #tpu.memory_space<vmem>>) target_semaphore(%arg9 : memref<!tpu.dma_semaphore, #tpu.memory_space<semaphore_mem>>)
    tpu.wait_dma2 semaphore(%arg9 : memref<!tpu.dma_semaphore, #tpu.memory_space<semaphore_mem>>) src(%arg0 : memref<32x4x300xf32, #tpu.memory_space<hbm>>) dst(%arg5 : memref<32x4x300xf32, #tpu.memory_space<vmem>>)
    tpu.wait_dma2 semaphore(%arg9 : memref<!tpu.dma_semaphore, #tpu.memory_space<semaphore_mem>>) src(%arg1 : memref<32x4x50xf32, #tpu.memory_space<hbm>>) dst(%arg6 : memref<32x4x50xf32, #tpu.memory_space<vmem>>)
    tpu.wait_dma2 semaphore(%arg9 : memref<!tpu.dma_semaphore, #tpu.memory_space<semaphore_mem>>) src(%arg2 : memref<32x50xi32, #tpu.memory_space<hbm>>) dst(%arg7 : memref<32x50xi32, #tpu.memory_space<vmem>>)
    tpu.wait_dma2 semaphore(%arg9 : memref<!tpu.dma_semaphore, #tpu.memory_space<semaphore_mem>>) src(%arg3 : memref<32x50xi32, #tpu.memory_space<hbm>>) dst(%arg8 : memref<32x50xi32, #tpu.memory_space<vmem>>)
    %get3A = arith.constant 0 : index
    %get3A_0 = arith.constant 0 : index
    %get3A_1 = arith.constant 0 : index
    %get3A_2 = vector.load %arg5[%get3A, %get3A_0, %get3A_1] : memref<32x4x300xf32, #tpu.memory_space<vmem>>, vector<32x1x300xf32>
    %get3A_3 = vector.shape_cast %get3A_2 : vector<32x1x300xf32> to vector<32x300xf32>
    %swap3A = arith.constant 0 : index
    %swap3A_4 = arith.constant 0 : index
    %swap3A_5 = vector.load %arg4[%swap3A, %swap3A_4] : memref<32x1520xf32, #tpu.memory_space<vmem>>, vector<32x300xf32>
    tpu.vector_store %arg4[%swap3A, %swap3A_4], %get3A_3 {strides = array<i32>} : memref<32x1520xf32, #tpu.memory_space<vmem>>, vector<32x300xf32>,
    %get3A_6 = arith.constant 0 : index
    %get3A_7 = arith.constant 0 : index
    %get3A_8 = arith.constant 0 : index
    %get3A_9 = vector.load %arg6[%get3A_6, %get3A_7, %get3A_8] : memref<32x4x50xf32, #tpu.memory_space<vmem>>, vector<32x1x50xf32>
    %get3A_10 = vector.shape_cast %get3A_9 : vector<32x1x50xf32> to vector<32x50xf32>
    %swap3A_11 = arith.constant 0 : index
    %swap3A_12 = arith.constant 1200 : index
    %swap3A_13 = vector.load %arg4[%swap3A_11, %swap3A_12] : memref<32x1520xf32, #tpu.memory_space<vmem>>, vector<32x50xf32>
    tpu.vector_store %arg4[%swap3A_11, %swap3A_12], %get3A_10 {strides = array<i32>} : memref<32x1520xf32, #tpu.memory_space<vmem>>, vector<32x50xf32>,
    %get3A_14 = arith.constant 0 : index
    %get3A_15 = arith.constant 1 : index
    %get3A_16 = arith.constant 0 : index
    %get3A_17 = vector.load %arg5[%get3A_14, %get3A_15, %get3A_16] : memref<32x4x300xf32, #tpu.memory_space<vmem>>, vector<32x1x300xf32>
    %get3A_18 = vector.shape_cast %get3A_17 : vector<32x1x300xf32> to vector<32x300xf32>
    %swap3A_19 = arith.constant 0 : index
    %swap3A_20 = arith.constant 300 : index
    %swap3A_21 = vector.load %arg4[%swap3A_19, %swap3A_20] : memref<32x1520xf32, #tpu.memory_space<vmem>>, vector<32x300xf32>
    tpu.vector_store %arg4[%swap3A_19, %swap3A_20], %get3A_18 {strides = array<i32>} : memref<32x1520xf32, #tpu.memory_space<vmem>>, vector<32x300xf32>,
    %get3A_22 = arith.constant 0 : index
    %get3A_23 = arith.constant 1 : index
    %get3A_24 = arith.constant 0 : index
    %get3A_25 = vector.load %arg6[%get3A_22, %get3A_23, %get3A_24] : memref<32x4x50xf32, #tpu.memory_space<vmem>>, vector<32x1x50xf32>
    %get3A_26 = vector.shape_cast %get3A_25 : vector<32x1x50xf32> to vector<32x50xf32>
    %swap3A_27 = arith.constant 0 : index
    %swap3A_28 = arith.constant 1250 : index
    %swap3A_29 = vector.load %arg4[%swap3A_27, %swap3A_28] : memref<32x1520xf32, #tpu.memory_space<vmem>>, vector<32x50xf32>
    tpu.vector_store %arg4[%swap3A_27, %swap3A_28], %get3A_26 {strides = array<i32>} : memref<32x1520xf32, #tpu.memory_space<vmem>>, vector<32x50xf32>,
    %get3A_30 = arith.constant 0 : index
    %get3A_31 = arith.constant 2 : index
    %get3A_32 = arith.constant 0 : index
    %get3A_33 = vector.load %arg5[%get3A_30, %get3A_31, %get3A_32] : memref<32x4x300xf32, #tpu.memory_space<vmem>>, vector<32x1x300xf32>
    %get3A_34 = vector.shape_cast %get3A_33 : vector<32x1x300xf32> to vector<32x300xf32>
    %swap3A_35 = arith.constant 0 : index
    %swap3A_36 = arith.constant 600 : index
    %swap3A_37 = vector.load %arg4[%swap3A_35, %swap3A_36] : memref<32x1520xf32, #tpu.memory_space<vmem>>, vector<32x300xf32>
    tpu.vector_store %arg4[%swap3A_35, %swap3A_36], %get3A_34 {strides = array<i32>} : memref<32x1520xf32, #tpu.memory_space<vmem>>, vector<32x300xf32>,
    %get3A_38 = arith.constant 0 : index
    %get3A_39 = arith.constant 2 : index
    %get3A_40 = arith.constant 0 : index
    %get3A_41 = vector.load %arg6[%get3A_38, %get3A_39, %get3A_40] : memref<32x4x50xf32, #tpu.memory_space<vmem>>, vector<32x1x50xf32>
    %get3A_42 = vector.shape_cast %get3A_41 : vector<32x1x50xf32> to vector<32x50xf32>
    %swap3A_43 = arith.constant 0 : index
    %swap3A_44 = arith.constant 1300 : index
    %swap3A_45 = vector.load %arg4[%swap3A_43, %swap3A_44] : memref<32x1520xf32, #tpu.memory_space<vmem>>, vector<32x50xf32>
    tpu.vector_store %arg4[%swap3A_43, %swap3A_44], %get3A_42 {strides = array<i32>} : memref<32x1520xf32, #tpu.memory_space<vmem>>, vector<32x50xf32>,
    %get3A_46 = arith.constant 0 : index
    %get3A_47 = arith.constant 3 : index
    %get3A_48 = arith.constant 0 : index
    %get3A_49 = vector.load %arg5[%get3A_46, %get3A_47, %get3A_48] : memref<32x4x300xf32, #tpu.memory_space<vmem>>, vector<32x1x300xf32>
    %get3A_50 = vector.shape_cast %get3A_49 : vector<32x1x300xf32> to vector<32x300xf32>
    %swap3A_51 = arith.constant 0 : index
    %swap3A_52 = arith.constant 900 : index
    %swap3A_53 = vector.load %arg4[%swap3A_51, %swap3A_52] : memref<32x1520xf32, #tpu.memory_space<vmem>>, vector<32x300xf32>
    tpu.vector_store %arg4[%swap3A_51, %swap3A_52], %get3A_50 {strides = array<i32>} : memref<32x1520xf32, #tpu.memory_space<vmem>>, vector<32x300xf32>,
    %get3A_54 = arith.constant 0 : index
    %get3A_55 = arith.constant 3 : index
    %get3A_56 = arith.constant 0 : index
    %get3A_57 = vector.load %arg6[%get3A_54, %get3A_55, %get3A_56] : memref<32x4x50xf32, #tpu.memory_space<vmem>>, vector<32x1x50xf32>
    %get3A_58 = vector.shape_cast %get3A_57 : vector<32x1x50xf32> to vector<32x50xf32>
    %swap3A_59 = arith.constant 0 : index
    %swap3A_60 = arith.constant 1350 : index
    %swap3A_61 = vector.load %arg4[%swap3A_59, %swap3A_60] : memref<32x1520xf32, #tpu.memory_space<vmem>>, vector<32x50xf32>
    tpu.vector_store %arg4[%swap3A_59, %swap3A_60], %get3A_58 {strides = array<i32>} : memref<32x1520xf32, #tpu.memory_space<vmem>>, vector<32x50xf32>,
    %get3A_62 = arith.constant 0 : index
    %get3A_63 = arith.constant 0 : index
    %get3A_64 = vector.load %arg7[%get3A_62, %get3A_63] : memref<32x50xi32, #tpu.memory_space<vmem>>, vector<32x50xi32>
    %convert_element_type3A = arith.sitofp %get3A_64 : vector<32x50xi32> to vector<32x50xf32>
    %swap3A_65 = arith.constant 0 : index
    %swap3A_66 = arith.constant 1400 : index
    %swap3A_67 = vector.load %arg4[%swap3A_65, %swap3A_66] : memref<32x1520xf32, #tpu.memory_space<vmem>>, vector<32x50xf32>
    tpu.vector_store %arg4[%swap3A_65, %swap3A_66], %convert_element_type3A {strides = array<i32>} : memref<32x1520xf32, #tpu.memory_space<vmem>>, vector<32x50xf32>,
    %broadcast_in_dim3A = arith.constant 0.000000e+00 : f32
    %broadcast_in_dim3A_68 = vector.broadcast %broadcast_in_dim3A : f32 to vector<32x6xf32>
    %swap3A_69 = arith.constant 0 : index
    %swap3A_70 = arith.constant 1450 : index
    %swap3A_71 = vector.load %arg4[%swap3A_69, %swap3A_70] : memref<32x1520xf32, #tpu.memory_space<vmem>>, vector<32x6xf32>
    tpu.vector_store %arg4[%swap3A_69, %swap3A_70], %broadcast_in_dim3A_68 {strides = array<i32>} : memref<32x1520xf32, #tpu.memory_space<vmem>>, vector<32x6xf32>,
    %get3A_72 = arith.constant 0 : index
    %get3A_73 = arith.constant 0 : index
    %get3A_74 = vector.load %arg8[%get3A_72, %get3A_73] : memref<32x50xi32, #tpu.memory_space<vmem>>, vector<32x50xi32>
    %convert_element_type3A_75 = arith.sitofp %get3A_74 : vector<32x50xi32> to vector<32x50xf32>
    %swap3A_76 = arith.constant 0 : index
    %swap3A_77 = arith.constant 1456 : index
    %swap3A_78 = vector.load %arg4[%swap3A_76, %swap3A_77] : memref<32x1520xf32, #tpu.memory_space<vmem>>, vector<32x50xf32>
    tpu.vector_store %arg4[%swap3A_76, %swap3A_77], %convert_element_type3A_75 {strides = array<i32>} : memref<32x1520xf32, #tpu.memory_space<vmem>>, vector<32x50xf32>,
    %broadcast_in_dim3A_79 = arith.constant 0.000000e+00 : f32
    %broadcast_in_dim3A_80 = vector.broadcast %broadcast_in_dim3A_79 : f32 to vector<32x14xf32>
    %swap3A_81 = arith.constant 0 : index
    %swap3A_82 = arith.constant 1506 : index
    %swap3A_83 = vector.load %arg4[%swap3A_81, %swap3A_82] : memref<32x1520xf32, #tpu.memory_space<vmem>>, vector<32x14xf32>
    tpu.vector_store %arg4[%swap3A_81, %swap3A_82], %broadcast_in_dim3A_80 {strides = array<i32>} : memref<32x1520xf32, #tpu.memory_space<vmem>>, vector<32x14xf32>,
    return
  }
}

module attributes {stable_mosaic.version = 14 : i64} {
  func.func @_tc_body(%arg0: i32, %arg1: memref<32x80x300xf32, #tpu.memory_space<hbm>>, %arg2: memref<8x1280xf32, #tpu.memory_space<vmem>>, %arg3: memref<1x1xf32, #tpu.memory_space<smem>>, %arg4: memref<2x8x80x300xf32, #tpu.memory_space<vmem>>, %arg5: memref<2x!tpu.dma_semaphore, #tpu.memory_space<semaphore_mem>>) attributes {dimension_semantics = [#tpu.dimension_semantics<arbitrary>], iteration_bounds = array<i64: 4>, scalar_prefetch = 0 : i64, scratch_operands = 2 : i64, tpu.core_type = #tpu.core_type<tc>, window_params = [{}, {transform_indices = @transform_1, window_bounds = array<i64: 8, 1280>}, {transform_indices = @transform_2, window_bounds = array<i64: 1, 1>}]} {
    %eq3A = arith.constant 0 : i32
    %eq3A_0 = arith.cmpi eq, %arg0, %eq3A : i32
    %convert_element_type3A = arith.extui %eq3A_0 : i1 to i32
    %cond3A = arith.constant 0 : i32
    %cond3A_1 = arith.cmpi ne, %convert_element_type3A, %cond3A : i32
    scf.if %cond3A_1 {
      %dma_start3A = arith.constant 0 : i32
      %dma_start3A_132 = arith.constant 0 : i32
      %dma_start3A_133 = tpu.memref_slice %arg5[%dma_start3A_132] : memref<2x!tpu.dma_semaphore, #tpu.memory_space<semaphore_mem>> -> memref<1x!tpu.dma_semaphore, #tpu.memory_space<semaphore_mem>>
      %dma_start3A_134 = tpu.memref_squeeze %dma_start3A_133 : memref<1x!tpu.dma_semaphore, #tpu.memory_space<semaphore_mem>> -> memref<!tpu.dma_semaphore, #tpu.memory_space<semaphore_mem>>
      %dma_start3A_135 = arith.constant 0 : i32
      %dma_start3A_136 = arith.constant 0 : i32
      %dma_start3A_137 = arith.constant 0 : i32
      %dma_start3A_138 = tpu.memref_slice %arg4[%dma_start3A, %dma_start3A_135, %dma_start3A_136, %dma_start3A_137] : memref<2x8x80x300xf32, #tpu.memory_space<vmem>> -> memref<1x8x80x300xf32, #tpu.memory_space<vmem>>
      %dma_start3A_139 = tpu.memref_squeeze %dma_start3A_138 : memref<1x8x80x300xf32, #tpu.memory_space<vmem>> -> memref<8x80x300xf32, #tpu.memory_space<vmem>>
      %dma_start3A_140 = arith.constant 0 : i32
      %dma_start3A_141 = arith.constant 0 : i32
      %dma_start3A_142 = arith.constant 0 : i32
      %dma_start3A_143 = tpu.memref_slice %arg1[%dma_start3A_140, %dma_start3A_141, %dma_start3A_142] : memref<32x80x300xf32, #tpu.memory_space<hbm>> -> memref<8x80x300xf32, #tpu.memory_space<hbm>>
      tpu.enqueue_dma source(%dma_start3A_143 : memref<8x80x300xf32, #tpu.memory_space<hbm>>) target(%dma_start3A_139 : memref<8x80x300xf32, #tpu.memory_space<vmem>>) target_semaphore(%dma_start3A_134 : memref<!tpu.dma_semaphore, #tpu.memory_space<semaphore_mem>>)
    } else {
    }
    %add3A = arith.constant 1 : i32
    %add3A_2 = arith.addi %arg0, %add3A : i32
    %lt3A = arith.constant 4 : i32
    %lt3A_3 = arith.cmpi slt, %add3A_2, %lt3A : i32
    %convert_element_type3A_4 = arith.extui %lt3A_3 : i1 to i32
    %cond3A_5 = arith.constant 0 : i32
    %cond3A_6 = arith.cmpi ne, %convert_element_type3A_4, %cond3A_5 : i32
    scf.if %cond3A_6 {
      %add3A_132 = arith.constant 1 : i32
      %add3A_133 = arith.addi %arg0, %add3A_132 : i32
      %mul3A_134 = arith.constant 8 : i32
      %mul3A_135 = arith.muli %add3A_133, %mul3A_134 : i32
      %add3A_136 = arith.constant 1 : i32
      %add3A_137 = arith.addi %arg0, %add3A_136 : i32
      %jit3A_138 = arith.constant 2 : i32
      %eq3A_139 = arith.constant 0 : i32
      %eq3A_140 = arith.cmpi eq, %jit3A_138, %eq3A_139 : i32
      %jit3A_141 = arith.constant 1 : i32
      %select_n3A_142 = arith.select %eq3A_140, %jit3A_141, %jit3A_138 : i32
      %rem3A_143 = arith.remsi %add3A_137, %select_n3A_142 : i32
      %ne3A_144 = arith.constant 0 : i32
      %ne3A_145 = arith.cmpi ne, %rem3A_143, %ne3A_144 : i32
      %lt3A_146 = arith.constant 0 : i32
      %lt3A_147 = arith.cmpi slt, %rem3A_143, %lt3A_146 : i32
      %lt3A_148 = arith.constant 0 : i32
      %lt3A_149 = arith.cmpi slt, %select_n3A_142, %lt3A_148 : i32
      %ne3A_150 = arith.xori %lt3A_147, %lt3A_149 : i1
      %and3A_151 = arith.andi %ne3A_150, %ne3A_145 : i1
      %add3A_152 = arith.addi %rem3A_143, %select_n3A_142 : i32
      %select_n3A_153 = arith.select %and3A_151, %add3A_152, %rem3A_143 : i32
      %add3A_154 = arith.constant 1 : i32
      %add3A_155 = arith.addi %arg0, %add3A_154 : i32
      %jit3A_156 = arith.constant 2 : i32
      %eq3A_157 = arith.constant 0 : i32
      %eq3A_158 = arith.cmpi eq, %jit3A_156, %eq3A_157 : i32
      %jit3A_159 = arith.constant 1 : i32
      %select_n3A_160 = arith.select %eq3A_158, %jit3A_159, %jit3A_156 : i32
      %rem3A_161 = arith.remsi %add3A_155, %select_n3A_160 : i32
      %ne3A_162 = arith.constant 0 : i32
      %ne3A_163 = arith.cmpi ne, %rem3A_161, %ne3A_162 : i32
      %lt3A_164 = arith.constant 0 : i32
      %lt3A_165 = arith.cmpi slt, %rem3A_161, %lt3A_164 : i32
      %lt3A_166 = arith.constant 0 : i32
      %lt3A_167 = arith.cmpi slt, %select_n3A_160, %lt3A_166 : i32
      %ne3A_168 = arith.xori %lt3A_165, %lt3A_167 : i1
      %and3A_169 = arith.andi %ne3A_168, %ne3A_163 : i1
      %add3A_170 = arith.addi %rem3A_161, %select_n3A_160 : i32
      %select_n3A_171 = arith.select %and3A_169, %add3A_170, %rem3A_161 : i32
      %dma_start3A = tpu.memref_slice %arg5[%select_n3A_171] : memref<2x!tpu.dma_semaphore, #tpu.memory_space<semaphore_mem>> -> memref<1x!tpu.dma_semaphore, #tpu.memory_space<semaphore_mem>>
      %dma_start3A_172 = tpu.memref_squeeze %dma_start3A : memref<1x!tpu.dma_semaphore, #tpu.memory_space<semaphore_mem>> -> memref<!tpu.dma_semaphore, #tpu.memory_space<semaphore_mem>>
      %dma_start3A_173 = arith.constant 0 : i32
      %dma_start3A_174 = arith.constant 0 : i32
      %dma_start3A_175 = arith.constant 0 : i32
      %dma_start3A_176 = tpu.memref_slice %arg4[%select_n3A_153, %dma_start3A_173, %dma_start3A_174, %dma_start3A_175] : memref<2x8x80x300xf32, #tpu.memory_space<vmem>> -> memref<1x8x80x300xf32, #tpu.memory_space<vmem>>
      %dma_start3A_177 = tpu.memref_squeeze %dma_start3A_176 : memref<1x8x80x300xf32, #tpu.memory_space<vmem>> -> memref<8x80x300xf32, #tpu.memory_space<vmem>>
      %dma_start3A_178 = arith.constant 0 : i32
      %dma_start3A_179 = arith.constant 0 : i32
      %dma_start3A_180 = tpu.memref_slice %arg1[%mul3A_135, %dma_start3A_178, %dma_start3A_179] : memref<32x80x300xf32, #tpu.memory_space<hbm>> -> memref<8x80x300xf32, #tpu.memory_space<hbm>>
      tpu.enqueue_dma source(%dma_start3A_180 : memref<8x80x300xf32, #tpu.memory_space<hbm>>) target(%dma_start3A_177 : memref<8x80x300xf32, #tpu.memory_space<vmem>>) target_semaphore(%dma_start3A_172 : memref<!tpu.dma_semaphore, #tpu.memory_space<semaphore_mem>>)
    } else {
    }
    %mul3A = arith.constant 8 : i32
    %mul3A_7 = arith.muli %arg0, %mul3A : i32
    %jit3A = arith.constant 2 : i32
    %eq3A_8 = arith.constant 0 : i32
    %eq3A_9 = arith.cmpi eq, %jit3A, %eq3A_8 : i32
    %jit3A_10 = arith.constant 1 : i32
    %select_n3A = arith.select %eq3A_9, %jit3A_10, %jit3A : i32
    %rem3A = arith.remsi %arg0, %select_n3A : i32
    %ne3A = arith.constant 0 : i32
    %ne3A_11 = arith.cmpi ne, %rem3A, %ne3A : i32
    %lt3A_12 = arith.constant 0 : i32
    %lt3A_13 = arith.cmpi slt, %rem3A, %lt3A_12 : i32
    %lt3A_14 = arith.constant 0 : i32
    %lt3A_15 = arith.cmpi slt, %select_n3A, %lt3A_14 : i32
    %ne3A_16 = arith.xori %lt3A_13, %lt3A_15 : i1
    %and3A = arith.andi %ne3A_16, %ne3A_11 : i1
    %add3A_17 = arith.addi %rem3A, %select_n3A : i32
    %select_n3A_18 = arith.select %and3A, %add3A_17, %rem3A : i32
    %jit3A_19 = arith.constant 2 : i32
    %eq3A_20 = arith.constant 0 : i32
    %eq3A_21 = arith.cmpi eq, %jit3A_19, %eq3A_20 : i32
    %jit3A_22 = arith.constant 1 : i32
    %select_n3A_23 = arith.select %eq3A_21, %jit3A_22, %jit3A_19 : i32
    %rem3A_24 = arith.remsi %arg0, %select_n3A_23 : i32
    %ne3A_25 = arith.constant 0 : i32
    %ne3A_26 = arith.cmpi ne, %rem3A_24, %ne3A_25 : i32
    %lt3A_27 = arith.constant 0 : i32
    %lt3A_28 = arith.cmpi slt, %rem3A_24, %lt3A_27 : i32
    %lt3A_29 = arith.constant 0 : i32
    %lt3A_30 = arith.cmpi slt, %select_n3A_23, %lt3A_29 : i32
    %ne3A_31 = arith.xori %lt3A_28, %lt3A_30 : i1
    %and3A_32 = arith.andi %ne3A_31, %ne3A_26 : i1
    %add3A_33 = arith.addi %rem3A_24, %select_n3A_23 : i32
    %select_n3A_34 = arith.select %and3A_32, %add3A_33, %rem3A_24 : i32
    %dma_wait3A = tpu.memref_slice %arg5[%select_n3A_34] : memref<2x!tpu.dma_semaphore, #tpu.memory_space<semaphore_mem>> -> memref<1x!tpu.dma_semaphore, #tpu.memory_space<semaphore_mem>>
    %dma_wait3A_35 = tpu.memref_squeeze %dma_wait3A : memref<1x!tpu.dma_semaphore, #tpu.memory_space<semaphore_mem>> -> memref<!tpu.dma_semaphore, #tpu.memory_space<semaphore_mem>>
    %dma_wait3A_36 = arith.constant 0 : i32
    %dma_wait3A_37 = arith.constant 0 : i32
    %dma_wait3A_38 = arith.constant 0 : i32
    %dma_wait3A_39 = tpu.memref_slice %arg4[%select_n3A_18, %dma_wait3A_36, %dma_wait3A_37, %dma_wait3A_38] : memref<2x8x80x300xf32, #tpu.memory_space<vmem>> -> memref<1x8x80x300xf32, #tpu.memory_space<vmem>>
    %dma_wait3A_40 = tpu.memref_squeeze %dma_wait3A_39 : memref<1x8x80x300xf32, #tpu.memory_space<vmem>> -> memref<8x80x300xf32, #tpu.memory_space<vmem>>
    %dma_wait3A_41 = arith.constant 0 : i32
    %dma_wait3A_42 = arith.constant 0 : i32
    %dma_wait3A_43 = tpu.memref_slice %arg1[%mul3A_7, %dma_wait3A_41, %dma_wait3A_42] : memref<32x80x300xf32, #tpu.memory_space<hbm>> -> memref<8x80x300xf32, #tpu.memory_space<hbm>>
    tpu.wait_dma2 semaphore(%dma_wait3A_35 : memref<!tpu.dma_semaphore, #tpu.memory_space<semaphore_mem>>) src(%dma_wait3A_43 : memref<8x80x300xf32, #tpu.memory_space<hbm>>) dst(%dma_wait3A_40 : memref<8x80x300xf32, #tpu.memory_space<vmem>>)
    %jit3A_44 = arith.constant 2 : i32
    %eq3A_45 = arith.constant 0 : i32
    %eq3A_46 = arith.cmpi eq, %jit3A_44, %eq3A_45 : i32
    %jit3A_47 = arith.constant 1 : i32
    %select_n3A_48 = arith.select %eq3A_46, %jit3A_47, %jit3A_44 : i32
    %rem3A_49 = arith.remsi %arg0, %select_n3A_48 : i32
    %ne3A_50 = arith.constant 0 : i32
    %ne3A_51 = arith.cmpi ne, %rem3A_49, %ne3A_50 : i32
    %lt3A_52 = arith.constant 0 : i32
    %lt3A_53 = arith.cmpi slt, %rem3A_49, %lt3A_52 : i32
    %lt3A_54 = arith.constant 0 : i32
    %lt3A_55 = arith.cmpi slt, %select_n3A_48, %lt3A_54 : i32
    %ne3A_56 = arith.xori %lt3A_53, %lt3A_55 : i1
    %and3A_57 = arith.andi %ne3A_56, %ne3A_51 : i1
    %add3A_58 = arith.addi %rem3A_49, %select_n3A_48 : i32
    %select_n3A_59 = arith.select %and3A_57, %add3A_58, %rem3A_49 : i32
    %get3A = arith.index_cast %select_n3A_59 : i32 to index
    %get3A_60 = arith.constant 0 : index
    %get3A_61 = arith.constant 0 : index
    %get3A_62 = arith.constant 0 : index
    %get3A_63 = vector.load %arg4[%get3A, %get3A_60, %get3A_61, %get3A_62] : memref<2x8x80x300xf32, #tpu.memory_space<vmem>>, vector<1x8x80x300xf32>
    %get3A_64 = vector.shape_cast %get3A_63 : vector<1x8x80x300xf32> to vector<8x80x300xf32>
    %get3A_65 = arith.constant 0 : index
    %get3A_66 = arith.constant 0 : index
    %get3A_67 = vector.load %arg2[%get3A_65, %get3A_66] : memref<8x1280xf32, #tpu.memory_space<vmem>>, vector<8x1280xf32>
    %abs3A = math.absf %get3A_64 : vector<8x80x300xf32>
    %neg3A = arith.constant 0.000000e+00 : f32
    %neg3A_68 = vector.broadcast %neg3A : f32 to vector<8x80x300xf32>
    %neg3A_69 = arith.subf %neg3A_68, %abs3A : vector<8x80x300xf32>
    %exp3A = math.exp %neg3A_69 : vector<8x80x300xf32>
    %ge3A = arith.constant 0.000000e+00 : f32
    %ge3A_70 = vector.broadcast %ge3A : f32 to vector<8x80x300xf32>
    %ge3A_71 = arith.cmpf oge, %get3A_64, %ge3A_70 : vector<8x80x300xf32>
    %jit3A_72 = arith.constant 1.000000e+00 : f32
    %broadcast_in_dim3A = vector.broadcast %jit3A_72 : f32 to vector<8x80x300xf32>
    %select_n3A_73 = arith.select %ge3A_71, %broadcast_in_dim3A, %exp3A : vector<8x80x300xi1>, vector<8x80x300xf32>
    %add3A_74 = arith.constant 1.000000e+00 : f32
    %add3A_75 = vector.broadcast %add3A_74 : f32 to vector<8x80x300xf32>
    %add3A_76 = arith.addf %add3A_75, %exp3A : vector<8x80x300xf32>
    %div3A = arith.divf %select_n3A_73, %add3A_76 : vector<8x80x300xf32>
    %max3A = arith.constant 0.000000e+00 : f32
    %max3A_77 = vector.broadcast %max3A : f32 to vector<8x80x300xf32>
    %max3A_78 = arith.maximumf %get3A_64, %max3A_77 : vector<8x80x300xf32>
    %log1p3A = math.log1p %exp3A : vector<8x80x300xf32>
    %add3A_79 = arith.addf %max3A_78, %log1p3A : vector<8x80x300xf32>
    %slice3A = vector.extract_strided_slice %get3A_67 {offsets = [0, 0], sizes = [8, 300], strides = [1, 1]} : vector<8x1280xf32> to vector<8x300xf32>
    %slice3A_80 = vector.extract_strided_slice %get3A_67 {offsets = [0, 384], sizes = [8, 300], strides = [1, 1]} : vector<8x1280xf32> to vector<8x300xf32>
    %broadcast_in_dim3A_81 = vector.shape_cast %slice3A_80 : vector<8x300xf32> to vector<8x1x300xf32>
    %slice3A_82 = vector.extract_strided_slice %get3A_67 {offsets = [0, 768], sizes = [8, 300], strides = [1, 1]} : vector<8x1280xf32> to vector<8x300xf32>
    %broadcast_in_dim3A_83 = vector.shape_cast %slice3A_82 : vector<8x300xf32> to vector<8x1x300xf32>
    %sub3A = arith.constant 1.000000e+00 : f32
    %sub3A_84 = vector.broadcast %sub3A : f32 to vector<8x300xf32>
    %sub3A_85 = arith.subf %sub3A_84, %slice3A : vector<8x300xf32>
    %mul3A_86 = arith.constant 7.500000e-01 : f32
    %mul3A_87 = vector.broadcast %mul3A_86 : f32 to vector<8x300xf32>
    %mul3A_88 = arith.mulf %mul3A_87, %sub3A_85 : vector<8x300xf32>
    %broadcast_in_dim3A_89 = vector.shape_cast %mul3A_88 : vector<8x300xf32> to vector<8x1x300xf32>
    %mul3A_90 = arith.mulf %div3A, %div3A : vector<8x80x300xf32>
    %mul3A_91 = vector.broadcast %broadcast_in_dim3A_89 : vector<8x1x300xf32> to vector<8x80x300xf32>
    %mul3A_92 = arith.mulf %mul3A_91, %mul3A_90 : vector<8x80x300xf32>
    %iota3A = tpu.iota {dimensions = array<i32: 1>} : vector<8x80x300xi32>
    %convert_element_type3A_93 = arith.fptosi %broadcast_in_dim3A_83 : vector<8x1x300xf32> to vector<8x1x300xi32>
    %eq3A_94 = vector.broadcast %convert_element_type3A_93 : vector<8x1x300xi32> to vector<8x80x300xi32>
    %eq3A_95 = arith.cmpi eq, %iota3A, %eq3A_94 : vector<8x80x300xi32>
    %jit3A_96 = arith.constant 0.000000e+00 : f32
    %broadcast_in_dim3A_97 = vector.shape_cast %broadcast_in_dim3A_81 : vector<8x1x300xf32> to vector<8x1x300xf32>
    %broadcast_in_dim3A_98 = vector.broadcast %broadcast_in_dim3A_97 : vector<8x1x300xf32> to vector<8x80x300xf32>
    %broadcast_in_dim3A_99 = vector.broadcast %jit3A_96 : f32 to vector<8x80x300xf32>
    %select_n3A_100 = arith.select %eq3A_95, %broadcast_in_dim3A_98, %broadcast_in_dim3A_99 : vector<8x80x300xi1>, vector<8x80x300xf32>
    %add3A_101 = arith.addf %mul3A_92, %select_n3A_100 : vector<8x80x300xf32>
    %mul3A_102 = arith.mulf %add3A_79, %add3A_101 : vector<8x80x300xf32>
    %mul3A_103 = vector.broadcast %broadcast_in_dim3A_81 : vector<8x1x300xf32> to vector<8x80x300xf32>
    %mul3A_104 = arith.mulf %select_n3A_100, %mul3A_103 : vector<8x80x300xf32>
    %mul3A_105 = arith.mulf %mul3A_104, %get3A_64 : vector<8x80x300xf32>
    %sub3A_106 = arith.subf %mul3A_102, %mul3A_105 : vector<8x80x300xf32>
    %reduce_sum3A = vector.shape_cast %sub3A_106 : vector<8x80x300xf32> to vector<1x8x80x300xf32>
    %reduce_sum3A_107 = arith.constant dense<0.000000e+00> : vector<1xf32>
    %reduce_sum3A_108 = vector.multi_reduction <add>, %reduce_sum3A, %reduce_sum3A_107 [1, 2, 3] : vector<1x8x80x300xf32> to vector<1xf32>
    %reduce_sum3A_109 = vector.shape_cast %reduce_sum3A_108 : vector<1xf32> to vector<1x1x1x1xf32>
    %reduce_sum3A_110 = vector.extract %reduce_sum3A_109[0, 0, 0, 0] : f32 from vector<1x1x1x1xf32>
    %mul3A_111 = arith.constant 1.000000e+00 : f32
    %mul3A_112 = arith.mulf %mul3A_111, %reduce_sum3A_110 : f32
    %slice3A_113 = vector.extract_strided_slice %get3A_67 {offsets = [0, 1152], sizes = [8, 16], strides = [1, 1]} : vector<8x1280xf32> to vector<8x16xf32>
    %reduce_sum3A_114 = vector.shape_cast %slice3A_113 : vector<8x16xf32> to vector<1x8x16xf32>
    %reduce_sum3A_115 = arith.constant dense<0.000000e+00> : vector<1xf32>
    %reduce_sum3A_116 = vector.multi_reduction <add>, %reduce_sum3A_114, %reduce_sum3A_115 [1, 2] : vector<1x8x16xf32> to vector<1xf32>
    %reduce_sum3A_117 = vector.shape_cast %reduce_sum3A_116 : vector<1xf32> to vector<1x1x1xf32>
    %reduce_sum3A_118 = vector.extract %reduce_sum3A_117[0, 0, 0] : f32 from vector<1x1x1xf32>
    %add3A_119 = arith.addf %mul3A_112, %reduce_sum3A_118 : f32
    %eq3A_120 = arith.constant 0 : i32
    %eq3A_121 = arith.cmpi eq, %arg0, %eq3A_120 : i32
    %get3A_122 = arith.constant 0 : index
    %get3A_123 = arith.constant 0 : index
    %get3A_124 = memref.load %arg3[%get3A_122, %get3A_123] : memref<1x1xf32, #tpu.memory_space<smem>>
    %jit3A_125 = arith.constant 0.000000e+00 : f32
    %select_n3A_126 = arith.select %eq3A_121, %jit3A_125, %get3A_124 : f32
    %mul3A_127 = arith.constant 6.250000e-04 : f32
    %mul3A_128 = arith.mulf %add3A_119, %mul3A_127 : f32
    %add3A_129 = arith.addf %select_n3A_126, %mul3A_128 : f32
    %swap3A = arith.constant 0 : index
    %swap3A_130 = arith.constant 0 : index
    %swap3A_131 = memref.load %arg3[%swap3A, %swap3A_130] : memref<1x1xf32, #tpu.memory_space<smem>>
    memref.store %add3A_129, %arg3[%swap3A, %swap3A_130] : memref<1x1xf32, #tpu.memory_space<smem>>
    return
  }
  func.func @transform_1(%arg0: i32) -> (i32, i32) {
    %c0_i32 = arith.constant 0 : i32
    %c0_i32_0 = arith.constant 0 : i32
    return %arg0, %c0_i32 : i32, i32
  }
  func.func @transform_2(%arg0: i32) -> (i32, i32) {
    %c0_i32 = arith.constant 0 : i32
    %c0_i32_0 = arith.constant 0 : i32
    %c0_i32_1 = arith.constant 0 : i32
    return %c0_i32, %c0_i32_0 : i32, i32
  }
}

</mosaic_0001>

<sc_bundles>
// kernel: kernel.5.cloned.1.call-start
scs
__scs_entry_jumppad:
0x0: {  	(pc) =	sbr.rel $0x88, $3  }
0x1: {  	(tag) =	ssettag $0x0;
	lr =	simm.s32 $0x1  }
0x2: {  	[smem:$0x3F9C] =	sst lr;
	_ =	strace $0xD0000000  }
0x3: {  	_ = 	snop  }
0x4: {  	_ = 	snop  }
0x5: {  	_ = 	snop  }
0x6: {  	_ = 	snop  }
0x7: {  	_ = 	snop  }
__scs_overlays_trampoline_lowered:
0x8: {  	[smem:$0x3FAB] =	sst s0  }
0x9: {  	[smem:$0x3FAC] =	sst s1  }
0xa: {  	[smem:$0x3FAD] =	sst s2  }
0xb: {  	[smem:$0x3FAE] =	sst s3  }
0xc: {  	[smem:$0x3FAF] =	sst s4  }
0xd: {  	[smem:$0x3FB0] =	sst s5  }
0xe: {  	[smem:$0x3FB1] =	sst s6  }
0xf: {  	[smem:$0x3FB2] =	sst s7  }
0x10: {  	[smem:$0x3FB3] =	sst s8  }
0x11: {  	[smem:$0x3FB4] =	sst s9;
	s0 =	simm.s32 @!p0 $0x0  }
0x12: {  	s1 =	sld [smem:$0x3F9A];
	s0 =	simm.s32 @p0 $0x1  }
0x13: {  	[smem:$0x3FB5] =	sst s0;
	s0 =	simm.s32 @!p1 $0x0  }
0x14: {  	s2 =	sld [smem:$0x3F99];
	s0 =	simm.s32 @p1 $0x1  }
0x15: {  	[smem:$0x3FB6] =	sst s0;
	s0 =	simm.s32 @!p2 $0x0  }
0x16: {  	s3 =	sld [smem:$0x3FDB];
	s0 =	simm.s32 @p2 $0x1  }
0x17: {  	s4 =	simm.s32 $0x1BF5;
	[smem:$0x3FB8] =	sst s0  }
0x18: {  	s0 =	sld [smem:$0x3F9B];
	_ =	swait.ge [sflag:s4], $0x0  }
0x19: {  	s7 =	sld [smem:$0x3F9C]  }
0x1a: {  	s8 =	sadd.s32 $0xFFFFE003, lr  }
0x1b: {  	s9 =	sadd.s32 $0xFFFFFEF7, lr;
	s5 =	simm.s32 $0xFFFFFFFF;
	p2 =	slt.u32 s8, $0xFFFFF086  }
0x1c: {  	p1 =	slt.u32 s9, $0xF7A;
	s5 =	simm.s32 @!p2 $0x0  }
0x1d: {  	s5 =	simm.s32 @p1 $0x1;
	p0 =	seq.s32 s7, s2  }
0x1e: {  	s7 =	smul.u32 @!p0 $0xF7A, s2;
	p2 =	seq.s32 @!p0 s5, $0x0  }
0x1f: {  	s9 =	smul.u32 $0xF7A, s1;
	s8 =	simm.s32 @!p0 $0x1BF5;
	p2 =	por !p2, p0  }
0x20: {  	[sflag:s8] =	ssyncset.s32 @!p0 $0xFFFFF086;
	s6 =	sadd.s32 @!p0 s3, s7;
	s7 =	simm.s32 @!p0 $0x108  }
0x21: {  	s3 =	sadd.s32 s3, s9;
	s6 =	sadd.s32 @!p0 $0x88, s6;
	s7 =	simm.s32 @p2 $0x1082  }
0x22: {  	[simem:s7], [sflag:s8] =	dma.local @!p0 [hbm:s6], $0xF7A  }
0x23: {  	s9 =	sor.u32 $0xD0000000, s2;
	s6 =	simm.s32 $0x108;
	_ =	swait.ge @!p0 [sflag:s8], $0x0  }
0x24: {  	s3 =	sadd.s32 $0x88, s3;
	s6 =	simm.s32 @!p1 $0x1082;
	[sflag:s4] =	ssyncset.s32 $0xFFFFF086  }
0x25: {  	[simem:s6], [sflag:s4] =	dma.local [hbm:s3], $0xF7A  }
0x26: {  	[smem:$0x3F9C] =	sst s1;
	(tag) =	ssettag s2;
	_ =	strace s9  }
0x27: {  	s1 =	sld [smem:$0x3FAC]  }
0x28: {  	s2 =	sld [smem:$0x3FAD]  }
0x29: {  	s4 =	sld [smem:$0x3FAF]  }
0x2a: {  	p0 =	seq.s32 s5, $0x0;
	s5 =	sld [smem:$0x3FB0]  }
0x2b: {  	s6 =	sld [smem:$0x3FB1]  }
0x2c: {  	s7 =	sld [smem:$0x3FB2]  }
0x2d: {  	s3 =	simm.s32 $0x108;
	s8 =	sld [smem:$0x3FB3]  }
0x2e: {  	s3 =	simm.s32 @!p0 $0x1082;
	s9 =	sld [smem:$0x3FB4]  }
0x2f: {  	lr =	sadd.s32 s0, s3;
	s0 =	sld [smem:$0x3FAB]  }
0x30: {  	s3 =	sld [smem:$0x3FAE]  }
0x31: {  	[smem:$0x3FB7] =	sst s10  }
0x32: {  	s10 =	sld [smem:$0x3FB5];
	_ =	sdelay $0x3  }
0x33: {  	p0 =	seq.s32 s10, $0x1;
	s10 =	sld [smem:$0x3FB7];
	_ =	sdelay $0x3  }
0x34: {  	[smem:$0x3FB7] =	sst s10  }
0x35: {  	s10 =	sld [smem:$0x3FB6];
	_ =	sdelay $0x3  }
0x36: {  	p1 =	seq.s32 s10, $0x1;
	s10 =	sld [smem:$0x3FB7];
	_ =	sdelay $0x3  }
0x37: {  	[smem:$0x3FB7] =	sst s10  }
0x38: {  	s10 =	sld [smem:$0x3FB8]  }
0x39: {  	_ = 	snop;
	(pc) =	sbr.ind lr, $3  }
0x3a: {  	_ = 	snop  }
0x3b: {  	_ = 	snop  }
0x3c: {  	p2 =	seq.s32 s10, $0x1;
	s10 =	sld [smem:$0x3FB7]  }
0x3d: {  	_ =	shalt  }
0x3e: {  	_ =	shalt  }
0x3f: {  	_ =	shalt  }
0x40: {  	_ =	shalt  }
0x41: {  	_ =	shalt  }
0x42: {  	_ =	shalt  }
0x43: {  	_ =	shalt  }
0x44: {  	_ =	shalt  }
0x45: {  	_ =	shalt  }
0x46: {  	_ =	shalt  }
0x47: {  	_ =	shalt  }
0x48: {  	_ =	shalt  }
0x49: {  	_ =	shalt  }
0x4a: {  	_ =	shalt  }
0x4b: {  	_ =	shalt  }
0x4c: {  	_ =	shalt  }
0x4d: {  	_ =	shalt  }
0x4e: {  	_ =	shalt  }
0x4f: {  	_ =	shalt  }
0x50: {  	_ =	shalt  }
0x51: {  	_ =	shalt  }
0x52: {  	_ =	shalt  }
0x53: {  	_ =	shalt  }
0x54: {  	_ =	shalt  }
0x55: {  	_ =	shalt  }
0x56: {  	_ =	shalt  }
0x57: {  	_ =	shalt  }
0x58: {  	_ =	shalt  }
0x59: {  	_ =	shalt  }
0x5a: {  	_ =	shalt  }
0x5b: {  	_ =	shalt  }
0x5c: {  	_ =	shalt  }
0x5d: {  	_ =	shalt  }
0x5e: {  	_ =	shalt  }
0x5f: {  	_ =	shalt  }
0x60: {  	_ =	shalt  }
0x61: {  	_ =	shalt  }
0x62: {  	_ =	shalt  }
0x63: {  	_ =	shalt  }
0x64: {  	_ =	shalt  }
0x65: {  	_ =	shalt  }
0x66: {  	_ =	shalt  }
0x67: {  	_ =	shalt  }
0x68: {  	_ =	shalt  }
0x69: {  	_ =	shalt  }
0x6a: {  	_ =	shalt  }
0x6b: {  	_ =	shalt  }
0x6c: {  	_ =	shalt  }
0x6d: {  	_ =	shalt  }
0x6e: {  	_ =	shalt  }
0x6f: {  	_ =	shalt  }
0x70: {  	_ =	shalt  }
0x71: {  	_ =	shalt  }
0x72: {  	_ =	shalt  }
0x73: {  	_ =	shalt  }
0x74: {  	_ =	shalt  }
0x75: {  	_ =	shalt  }
0x76: {  	_ =	shalt  }
0x77: {  	_ =	shalt  }
0x78: {  	_ =	shalt  }
0x79: {  	_ =	shalt  }
0x7a: {  	_ =	shalt  }
0x7b: {  	_ =	shalt  }
0x7c: {  	_ =	shalt  }
0x7d: {  	_ =	shalt  }
0x7e: {  	_ =	shalt  }
0x7f: {  	_ =	shalt  }
0x80: {  	_ =	shalt  }
0x81: {  	_ =	shalt  }
0x82: {  	_ =	shalt  }
0x83: {  	_ =	shalt  }
0x84: {  	_ =	shalt  }
0x85: {  	_ =	shalt  }
0x86: {  	_ =	shalt  }
0x87: {  	_ =	shalt  }
.Lfunc_end0:
.L_simem_size_0:
called_computation_lowered:
.L_overlay_start_0:
0x88: {  	s2 =	sld [smem:$0x3FD9]  }
0x89: {  	s3 =	sld [smem:$0x3FFE];
	_ =	sdelay $0x1  }
0x8a: {  	s1 =	srdreg.scid  }
0x8b: {  	s0 =	sand.u32 $0x1, s1  }
0x8c: {  	s16 =	sshll.u32 s0, $0xA;
	s2 =	sadd.s32 s3, s2  }
0x8d: {  	s2 =	sadd.s32 s2, s16  }
0x8e: {  	[smem:$0x3FC3] =	sst s2  }
0x8f: {  	_ = 	snop  }
0x90: {  	(tm) =	ssettm $0x1  }
0x91: {  	s17 =	sld [smem:$0x3FFB];
	_ =	sdelay $0x3  }
0x92: {  	_ =	strace s17  }
0x93: {  	s2 =	sld [smem:$0x3FFC];
	_ =	sdelay $0x3  }
0x94: {  	_ =	strace s2  }
0x95: {  	s2 =	sld [smem:$0x3FFD];
	_ =	sdelay $0x3  }
0x96: {  	_ =	strace s2  }
0x97: {  	_ =	strace $0x8FFFFFFF  }
0x98: {  	s18 =	sld [smem:$0x3FDB];
	_ =	sdelay $0x1  }
0x99: {  	s19 =	simm.s32 $_scs_section_size  }
0x9a: {  	s4 =	simm.s32 $_size__tile_overlayer_lowered;
	s5 =	simm.s32 $_tile_overlayer_lowered  }
0x9b: {  	s22 =	simm.s32 $0x1BFF;
	s21 =	sshll.u32 s5, $0x1;
	s2 =	sadd.s32 s19, s18  }
0x9c: {  	s6 =	simm.s32 $0x0;
	s20 =	sshll.u32 s4, $0x1;
	s4 =	sadd.s32 s21, s2  }
0x9d: {  	[timem:s6], [sflag:s22] =	dma.local [hbm:s4], s20  }
0x9e: {  	_ =	swait.ge [sflag:s22], s20  }
0x9f: {  	s3 =	ssub.s32 $0x0, s20;
	[sflag:s22] =	ssyncset.done $0x0  }
0xa0: {  	[sflag:s22] =	ssyncadd.s32 s3;
	_ =	sdelay $0x1  }
0xa1: {  	s23 =	simm.s32 $0x1B8B  }
0xa2: {  	_ =	swait.ge [sflag:s23], $0x1  }
0xa3: {  	[sflag:s23] =	ssyncset.done $0x0  }
0xa4: {  	s25 =	simm.s32 $0x1B8E;
	s24 =	sld [smem:$0x3FFE];
	[sflag:s23] =	ssyncadd.s32 $0xFFFFFFFF  }
0xa5: {  	s26 =	simm.s32 $execute0_lowered;
	[smem:$0x3FD2] =	sst s25  }
0xa6: {  	s4 =	sshll.u32 s26, $0x1;
	_ =	strace $0x80000046;
	[dreg:$0x1] =	wrdreg $0xFFFFFFFF  }
0xa7: {  	s28 =	simm.s32 $_size_execute0_lowered;
	s2 =	sadd.s32 s2, s4;
	[dreg:$0x0] =	wrdreg $0x0  }
0xa8: {  	s4 =	sshll.u32 s28, $0x1;
	[dreg:$0x2] =	wrdreg s2  }
0xa9: {  	[dreg:$0x3] =	wrdreg s4  }
0xaa: {  	[dreg:$0x4] =	wrdreg $0xC0  }
0xab: {  	_ =	task [dreg:s6], $0x5FFFF  }
0xac: {  	[dreg:$0x1] =	wrdreg $0xFFFFFFFF  }
0xad: {  	[dreg:$0x0] =	wrdreg $0x60  }
0xae: {  	[dreg:$0x2] =	wrdreg s24  }
0xaf: {  	[dreg:$0x3] =	wrdreg $0x9  }
0xb0: {  	_ =	task.clear_ibuf [dreg:s6], $0x4FFFF;
	_ =	strace $0x90000046  }
0xb1: {  	s29 =	simm.s32 $0x9;
	_ =	strace $0x80000048  }
0xb2: {  	_ =	swait.ge [sflag:s29], $0x1  }
0xb3: {  	[sflag:s29] =	ssyncadd.s32 $0xFFFFFFFF  }
0xb4: {  	_ =	strace $0x90000048  }
0xb5: {  	_ =	sfence  }
0xb6: {  	s30 =	sld [smem:$0x0];
	_ =	sdelay $0x2  }
0xb7: {  	s31 =	sshll.u32 s1, $0xD;
	s1 =	sshrl.u32 s1, $0x2  }
0xb8: {  	s3 =	sand.u32 $0x4000, s31;
	s1 =	sadd.s32 s1, s30  }
0xb9: {  	s0 =	sor.u32 s3, s0;
	s1 =	sshll.u32 s1, $0x11  }
0xba: {  	s0 =	sor.u32 s1, s0  }
0xbb: {  	s0 =	sadd.s32 $0x8F2B, s0  }
0xbc: {  	[sflag:s0] =	ssyncadd.remote.s32 $0x1  }
0xbd: {  	_ =	sfence.sel $0xFFFF  }
0xbe: {  	[dreg:$0x0] =	wrdreg $0xFFFFFFFF;
	(pc) =	sbr.abs _section_cstart, $3  }
0xbf: {  	[dreg:$0x1] =	wrdreg $0xFFFFFFFF  }
0xc0: {  	_ =	task.clear_ibuf [dreg:s6], $0x2FFFF;
	_ =	strace $0x9FFFFFFF  }
0xc1: {  	(tm) =	ssettm $0x7FFFFFFF  }
tec
execute0_lowered:
.L_overlay_start_1:
0x0: {  	(tag) =	ssettag $0x1  }
0x1: {  	s3 =	rddreg [dreg:$0x0]  }
0x2: {  	s0 =	rddreg [dreg:$0x1];
	s2 =	simm.s32 $0x0;
	s4 =	srdreg.scid  }
0x3: {  	s1 =	stileid.u32;
	v13 =	vlaneseq.u32;
	s9 =	simm.s32 $0x600;
	s4 =	sand.u32 $0x1, s4  }
0x4: {  	v0 =	vimm.f32 $0.0e+00;
	v5 =	vimm.f32 $1.000000000e+00;
	s5 =	sshrl.u32 s1, $0x2;
	s6 =	sshll.u32 s1, $0x8;
	v1 =	vor.u32 $0x4B0, v13;
	[smem:$0x7FF] =	sst s2  }
0x5: {  	v14 =	vimm.s32 $0x4E1;
	vm0 =	vcmask $0x300;
	s7 =	smul.u32 $0x3000, s5;
	s8 =	sshll.u32 s4, $0x7;
	s6 =	sand.u32 $0x300, s6;
	[tilespmem:$0x1FFA0] =	vst v1;
	v1 =	vadd.s32 $0x4E2, v13  }
0x6: {  	v15 =	vimm.s32 $0x513;
	v16 =	vimm.s32 $0x545;
	s5 =	smul.u32 $0x2800, s5;
	s4 =	ssub.s32 $0x2, s4;
	[tilespmem:$0x1FFB0] =	vst v1;
	s6 =	sor.u32 s8, s6;
	v1 =	vadd.s32 $0x514, v13  }
0x7: {  	v17 =	vimm.s32 $0x577;
	v8 =	vadd.s32 $0x524, v13;
	s31 =	sshrl.u32 s4, $0x1;
	s8 =	simm.s32 $0x1;
	[tilespmem:$0x1FFC0] =	vst v1;
	v1 =	vadd.s32 $0x546, v13;
	s7 =	sor.u32 s7, s6  }
0x8: {  	v9 =	vadd.s32 $0x556, v13;
	v10 =	vor.u32 $0x4D0, v13;
	v11 =	vadd.s32 $0x502, v13;
	s5 =	sor.u32 s5, s6;
	s6 =	simm.s32 $0x80;
	[tilespmem:$0x1FFD0] =	vst v1;
	s7 =	sshrl.u32 s7, $0x3  }
0x9: {  	v12 =	vadd.s32 $0x534, v13;
	v14 =	vsel vm0, $0x4E0, v14;
	v1 =	vor.u32 $0x4C0, v13;
	s5 =	sshrl.u32 s5, $0x3;
	_ =	strace $0x80000047;
	s30 =	sadd.s32 s7, s3  }
0xa: {  	v15 =	vsel vm0, $0x512, v15;
	v16 =	vsel vm0, $0x544, v16;
	[tilespmem:$0x1FFE0] =	vst v1;
	v1 =	vadd.s32 $0x4F2, v13;
	s5 =	sadd.s32 s5, s3;
	s7 =	ssub.s32 s4, s31;
	s3 =	sadd.s32 $0x800, s30  }
0xb: {  	v17 =	vsel vm0, $0x576, v17;
	vm0 =	vmmov $0x3;
	v13 =	vadd.s32 $0x566, v13;
	[tilespmem:$0x1FFF0] =	vst v1;
	s4 =	sadd.s32 $0x2000, s5;
	s5 =	smax.u32 s7, $0x1;
	s7 =	simm.s32 $0x400  }
.LBB2_1:
0xc: {  	[tilespmem:s2], [sflag:$0x1] =	stream.strided.gather [hbm4b:s3+s6], $0x600, s7, s6, $0x38;
	[tilespmem:$0xB00] =	vst v63  }
0xd: {  	[tilespmem:$0x600] =	vst v0  }
0xe: {  	[tilespmem:$0x610] =	vst v0  }
0xf: {  	[tilespmem:$0x620] =	vst v0  }
0x10: {  	[tilespmem:$0x630] =	vst v0  }
0x11: {  	[tilespmem:$0x640] =	vst v0  }
0x12: {  	[tilespmem:$0x650] =	vst v0  }
0x13: {  	[tilespmem:$0x660] =	vst v0  }
0x14: {  	[tilespmem:$0x670] =	vst v0  }
0x15: {  	[tilespmem:$0x680] =	vst v0  }
0x16: {  	[tilespmem:$0x690] =	vst v0  }
0x17: {  	[tilespmem:$0x6A0] =	vst v0  }
0x18: {  	[tilespmem:$0x6B0] =	vst v0  }
0x19: {  	[tilespmem:$0x6C0] =	vst v0  }
0x1a: {  	[tilespmem:$0x6D0] =	vst v0  }
0x1b: {  	[tilespmem:$0x6E0] =	vst v0  }
0x1c: {  	[tilespmem:$0x6F0] =	vst v0  }
0x1d: {  	[tilespmem:$0x700] =	vst v0  }
0x1e: {  	[tilespmem:$0x710] =	vst v0  }
0x1f: {  	[tilespmem:$0x720] =	vst v0  }
0x20: {  	[tilespmem:$0x730] =	vst v0  }
0x21: {  	[tilespmem:$0x740] =	vst v0  }
0x22: {  	[tilespmem:$0x750] =	vst v0  }
0x23: {  	[tilespmem:$0x760] =	vst v0  }
0x24: {  	[tilespmem:$0x770] =	vst v0  }
0x25: {  	[tilespmem:$0x780] =	vst v0  }
0x26: {  	[tilespmem:$0x790] =	vst v0  }
0x27: {  	[tilespmem:$0x7A0] =	vst v0  }
0x28: {  	[tilespmem:$0x7B0] =	vst v0  }
0x29: {  	[tilespmem:$0x7C0] =	vst v0  }
0x2a: {  	[tilespmem:$0x7D0] =	vst v0  }
0x2b: {  	[tilespmem:$0x7E0] =	vst v0  }
0x2c: {  	[tilespmem:$0x7F0] =	vst v0  }
0x2d: {  	[tilespmem:$0x800] =	vst v0  }
0x2e: {  	[tilespmem:$0x810] =	vst v0  }
0x2f: {  	[tilespmem:$0x820] =	vst v0  }
0x30: {  	[tilespmem:$0x830] =	vst v0  }
0x31: {  	[tilespmem:$0x840] =	vst v0  }
0x32: {  	[tilespmem:$0x850] =	vst v0  }
0x33: {  	[tilespmem:$0x860] =	vst v0  }
0x34: {  	[tilespmem:$0x870] =	vst v0  }
0x35: {  	[tilespmem:$0x880] =	vst v0  }
0x36: {  	[tilespmem:$0x890] =	vst v0  }
0x37: {  	[tilespmem:$0x8A0] =	vst v0  }
0x38: {  	[tilespmem:$0x8B0] =	vst v0  }
0x39: {  	[tilespmem:$0x8C0] =	vst v0  }
0x3a: {  	[tilespmem:$0x8D0] =	vst v0  }
0x3b: {  	[tilespmem:$0x8E0] =	vst v0  }
0x3c: {  	[tilespmem:$0x8F0] =	vst v0  }
0x3d: {  	[tilespmem:$0x900] =	vst v0  }
0x3e: {  	[tilespmem:$0x910] =	vst v0  }
0x3f: {  	[tilespmem:$0x920] =	vst v0  }
0x40: {  	[tilespmem:$0x930] =	vst v0  }
0x41: {  	[tilespmem:$0x940] =	vst v0  }
0x42: {  	[tilespmem:$0x950] =	vst v0  }
0x43: {  	[tilespmem:$0x960] =	vst v0  }
0x44: {  	[tilespmem:$0x970] =	vst v0  }
0x45: {  	[tilespmem:$0x980] =	vst v0  }
0x46: {  	[tilespmem:$0x990] =	vst v0  }
0x47: {  	[tilespmem:$0x9A0] =	vst v0  }
0x48: {  	[tilespmem:$0x9B0] =	vst v0  }
0x49: {  	[tilespmem:$0x9C0] =	vst v0  }
0x4a: {  	[tilespmem:$0x9D0] =	vst v0  }
0x4b: {  	[tilespmem:$0x9E0] =	vst v0  }
0x4c: {  	[tilespmem:$0x9F0] =	vst v0  }
0x4d: {  	[tilespmem:$0xA00] =	vst v0  }
0x4e: {  	[tilespmem:$0xA10] =	vst v0  }
0x4f: {  	[tilespmem:$0xA20] =	vst v0  }
0x50: {  	[tilespmem:$0xA30] =	vst v0  }
0x51: {  	[tilespmem:$0xA40] =	vst v0  }
0x52: {  	[tilespmem:$0xA50] =	vst v0  }
0x53: {  	[tilespmem:$0xA60] =	vst v0  }
0x54: {  	[tilespmem:$0xA70] =	vst v0  }
0x55: {  	[tilespmem:$0xA80] =	vst v0  }
0x56: {  	[tilespmem:$0xA90] =	vst v0  }
0x57: {  	[tilespmem:$0xAA0] =	vst v0  }
0x58: {  	[tilespmem:$0xAB0] =	vst v0  }
0x59: {  	[tilespmem:$0xAC0] =	vst v0  }
0x5a: {  	[tilespmem:$0xAD0] =	vst v0  }
0x5b: {  	[tilespmem:$0xAE0] =	vst v0  }
0x5c: {  	[tilespmem:$0xAF0] =	vst v0  }
0x5d: {  	_ =	swait.ge [sflag:s8], $0x600  }
0x5e: {  	[sflag:s8] =	ssyncset.done $0x0  }
0x5f: {  	[sflag:s8] =	ssyncadd.s32 $0xFFFFFA00  }
0x60: {  	v18 =	vld [tilespmem:$0x578];
	_ =	sdelay $0x4  }
0x61: {  	v18 =	vtrunc.f32 v18  }
0x62: {  	v18 =	vcvt.f32.s32 v18;
	_ =	sdelay $0x1  }
0x63: {  	vm1 =	vgt.s32 v18, $0x0  }
0x64: {  	v18 =	vnsel vm1, $0x0, v18  }
0x65: {  	v1 =	vld [tilespmem:$0x1FFC0];
	v21 =	vmin.u32 v18, $0x12B  }
0x66: {  	v18 =	vadd.s32 $0x12C, v21  }
0x67: {  	v22 =	vadd.s32 $0x384, v21;
	_ =	sdelay $0x3  }
0x68: {  	v25 =	vld.idx.msk [tilespmem:v18+s2+$0x0], $0xffff  }
0x69: {  	v18 =	vld.idx.msk [tilespmem:v22+s2+$0x0], $0xffff  }
0x6a: {  	v22 =	vld.idx.msk [tilespmem:v1+s2+$0x0], $0xffff  }
0x6b: {  	v1 =	vld [tilespmem:$0x1FFD0];
	_ =	sdelay $0x1  }
0x6c: {  	v19 =	vadd.s32 $0x258, v21;
	_ =	sdelay $0x4  }
0x6d: {  	v20 =	vld.idx.msk [tilespmem:v19+s2+$0x0], $0xffff  }
0x6e: {  	v19 =	vld.idx.msk [tilespmem:v1+s2+$0x0], $0xffff  }
0x6f: {  	v1 =	vld [tilespmem:$0x1FFA0];
	_ =	sdelay $0x7  }
0x70: {  	v26 =	vld.idx.msk [tilespmem:v1+s2+$0x0], $0xffff  }
0x71: {  	v1 =	vld [tilespmem:$0x1FFB0];
	_ =	sdelay $0x2  }
0x72: {  	v24 =	vld.idx.msk [tilespmem:v21+s2+$0x0], $0xffff;
	_ =	sdelay $0x2  }
0x73: {  	v23 =	vmul.f32 $5.000000000e-01, v20;
	v28 =	vmul.f32 $5.000000000e-01, v18;
	_ =	sdelay $0x1  }
0x74: {  	v30 =	vsub.f32 v24, v23;
	v31 =	vsub.f32 v25, v28;
	v27 =	vld.idx.msk [tilespmem:v1+s2+$0x0], $0xffff  }
0x75: {  	v36 =	vadd.f32 v23, v24;
	v39 =	vadd.f32 v28, v25  }
0x76: {  	v29 =	vmul.f32 $5.000000000e-01, v22  }
0x77: {  	v23 =	vsub.f32 v36, v30;
	v28 =	vsub.f32 v39, v31;
	v32 =	vmul.f32 $5.000000000e-01, v19  }
0x78: {  	v40 =	vsub.f32 v26, v29;
	v42 =	vadd.f32 v29, v26  }
0x79: {  	v41 =	vsub.f32 v27, v32;
	v43 =	vadd.f32 v32, v27  }
0x7a: {  	v29 =	vsub.f32 v42, v40;
	v33 =	vmin.f32 v36, v42;
	v34 =	vmax.f32 v30, v40  }
0x7b: {  	v32 =	vsub.f32 v43, v41;
	v35 =	vmin.f32 v39, v43;
	v37 =	vmax.f32 v31, v41  }
0x7c: {  	v33 =	vsub.f32 v33, v34;
	v46 =	vsub.f32 v35, v37  }
0x7d: {  	v23 =	vmul.f32 v28, v23;
	v47 =	vmul.f32 v32, v29  }
0x7e: {  	v48 =	vmax.f32 v33, $0.0e+00;
	v49 =	vmax.f32 v46, $0.0e+00  }
0x7f: {  	v29 =	vmul.f32 v49, v48;
	v23 =	vadd.f32 v47, v23;
	_ =	sdelay $0x1  }
0x80: {  	v28 =	vsub.f32 v23, v29;
	_ =	sdelay $0x1  }
0x81: {  	(erf) = vrcp.f32 v28;
	_ =	sdelay $0x5  }
0x82: {  	v50 =	vadd.s32 $0x180, v21  }
0x83: {  	v51 =	vand.u32 $0x7F, v21;
	v52 =	vadd.s32 $0x300, v21;
	v23 =	vand.u32 $0x380, v50  }
0x84: {  	v33 =	vand.u32 $0x780, v52;
	v23 =	vor.u32 v51, v23  }
0x85: {  	v53 =	vld [tilespmem:$0x5B0];
	v32 =	vor.u32 v51, v33;
	v54 =	vpop (erf)  }
0x86: {  	v29 =	vmul.f32 v54, v29;
	_ =	sdelay $0x1  }
0x87: {  	[tilespmem:v21+s9+$0x0] =	vst.idx.msk $0xffff, v5;
	v29 =	vmax.f32 v29, $0.0e+00  }
0x88: {  	[tilespmem:v23+s9+$0x0] =	vst.idx.msk $0xffff, v29  }
0x89: {  	[tilespmem:v32+s9+$0x0] =	vst.idx.msk $0xffff, v53  }
0x8a: {  	v21 =	vld [tilespmem:$0x588];
	_ =	sdelay $0x1  }
0x8b: {  	v1 =	vld [tilespmem:$0x1FFE0];
	_ =	sdelay $0x2  }
0x8c: {  	v21 =	vtrunc.f32 v21  }
0x8d: {  	v21 =	vcvt.f32.s32 v21;
	_ =	sdelay $0x1  }
0x8e: {  	vm1 =	vgt.s32 v21, $0x0  }
0x8f: {  	v21 =	vnsel vm1, $0x0, v21  }
0x90: {  	v38 =	vld.idx.msk [tilespmem:v1+s2+$0x0], $0xffff;
	v44 =	vmin.u32 v21, $0x12B  }
0x91: {  	v1 =	vld [tilespmem:$0x1FFF0];
	v21 =	vadd.s32 $0x12C, v44  }
0x92: {  	v55 =	vadd.s32 $0x258, v44  }
0x93: {  	v56 =	vadd.s32 $0x384, v44  }
0x94: {  	v33 =	vld.idx.msk [tilespmem:v8+s2+$0x0], $0xffff  }
0x95: {  	v23 =	vld.idx.msk [tilespmem:v9+s2+$0x0], $0xffff  }
0x96: {  	v34 =	vld.idx.msk [tilespmem:v21+s2+$0x0], $0xffff  }
0x97: {  	v32 =	vld.idx.msk [tilespmem:v55+s2+$0x0], $0xffff  }
0x98: {  	v21 =	vld.idx.msk [tilespmem:v56+s2+$0x0], $0xffff  }
0x99: {  	v37 =	vld.idx.msk [tilespmem:v1+s2+$0x0], $0xffff  }
0x9a: {  	v58 =	vmul.f32 $5.000000000e-01, v33;
	v35 =	vld.idx.msk [tilespmem:v44+s2+$0x0], $0xffff  }
0x9b: {  	v36 =	vmax.f32 v36, v42;
	v30 =	vmin.f32 v30, v40  }
0x9c: {  	v30 =	vsub.f32 v36, v30;
	v59 =	vmul.f32 $5.000000000e-01, v23;
	v50 =	vsub.f32 v38, v58  }
0x9d: {  	v52 =	vadd.f32 v58, v38;
	v45 =	vmul.f32 $5.000000000e-01, v32;
	v57 =	vmul.f32 $5.000000000e-01, v21  }
0x9e: {  	v51 =	vsub.f32 v37, v59;
	v53 =	vadd.f32 v59, v37  }
0x9f: {  	v46 =	vsub.f32 v35, v45;
	v47 =	vsub.f32 v34, v57  }
0xa0: {  	v48 =	vadd.f32 v45, v35;
	v49 =	vadd.f32 v57, v34  }
0xa1: {  	v61 =	vsub.f32 v52, v50;
	v62 =	vsub.f32 v53, v51  }
0xa2: {  	v60 =	vsub.f32 v48, v46;
	v40 =	vsub.f32 v49, v47;
	v54 =	vmin.f32 v48, v52  }
0xa3: {  	v55 =	vmax.f32 v46, v50;
	v56 =	vmin.f32 v49, v53;
	v57 =	vmax.f32 v47, v51  }
0xa4: {  	v39 =	vmax.f32 v39, v43;
	v63 =	vsub.f32 v54, v55;
	v58 =	vsub.f32 v56, v57  }
0xa5: {  	v31 =	vmin.f32 v31, v41;
	v59 =	vmul.f32 v62, v61;
	v36 =	vmul.f32 v40, v60  }
0xa6: {  	v31 =	vsub.f32 v39, v31;
	v60 =	vmax.f32 v63, $0.0e+00;
	v61 =	vmax.f32 v58, $0.0e+00  }
0xa7: {  	v39 =	vmul.f32 v61, v60;
	v36 =	vadd.f32 v59, v36  }
0xa8: {  	v54 =	vmul.f32 v31, v30  }
0xa9: {  	v55 =	vsub.f32 v36, v39  }
0xaa: {  	(erf) = vrcp.f32 v54  }
0xab: {  	(erf) = vrcp.f32 v55;
	_ =	sdelay $0x5  }
0xac: {  	v62 =	vadd.s32 $0x180, v44  }
0xad: {  	v45 =	vadd.s32 $0x300, v44;
	v30 =	vand.u32 $0x380, v62;
	v63 =	vand.u32 $0x7F, v44  }
0xae: {  	v30 =	vor.u32 v63, v30;
	v36 =	vand.u32 $0x780, v45;
	v56 =	vpop (erf)  }
0xaf: {  	v57 =	vld [tilespmem:$0x5C0];
	v31 =	vor.u32 v63, v36;
	v58 =	vpop (erf)  }
0xb0: {  	v59 =	vmul.f32 v58, v39;
	_ =	sdelay $0x1  }
0xb1: {  	[tilespmem:v44+s9+$0x0] =	vst.idx.msk $0xffff, v5;
	v36 =	vmax.f32 v59, $0.0e+00  }
0xb2: {  	[tilespmem:v30+s9+$0x0] =	vst.idx.msk $0xffff, v36  }
0xb3: {  	[tilespmem:v31+s9+$0x0] =	vst.idx.msk $0xffff, v57  }
0xb4: {  	v30 =	vld [tilespmem:$0x598];
	_ =	sdelay $0x4  }
0xb5: {  	v30 =	vtrunc.f32 v30  }
0xb6: {  	v30 =	vcvt.f32.s32 v30;
	_ =	sdelay $0x1  }
0xb7: {  	vm1 =	vgt.s32 v30, $0x0  }
0xb8: {  	v30 =	vnsel vm1, $0x0, v30  }
0xb9: {  	v43 =	vmin.u32 v30, $0x12B  }
0xba: {  	v30 =	vadd.s32 $0x12C, v43  }
0xbb: {  	v41 =	vld.idx.msk [tilespmem:v12+s2+$0x0], $0xffff;
	v60 =	vadd.s32 $0x258, v43  }
0xbc: {  	v31 =	vld.idx.msk [tilespmem:v13+s2+$0x0], $0xffff;
	v61 =	vadd.s32 $0x384, v43  }
0xbd: {  	v45 =	vld.idx.msk [tilespmem:v10+s2+$0x0], $0xffff  }
0xbe: {  	v44 =	vld.idx.msk [tilespmem:v11+s2+$0x0], $0xffff  }
0xbf: {  	v40 =	vld.idx.msk [tilespmem:v30+s2+$0x0], $0xffff  }
0xc0: {  	v39 =	vld.idx.msk [tilespmem:v60+s2+$0x0], $0xffff  }
0xc1: {  	v30 =	vld.idx.msk [tilespmem:v61+s2+$0x0], $0xffff;
	_ =	sdelay $0x1  }
0xc2: {  	v58 =	vmul.f32 $5.000000000e-01, v41;
	v42 =	vld.idx.msk [tilespmem:v43+s2+$0x0], $0xffff  }
0xc3: {  	v48 =	vmax.f32 v48, v52;
	v46 =	vmin.f32 v46, v50;
	v59 =	vmul.f32 $5.000000000e-01, v31  }
0xc4: {  	v46 =	vsub.f32 v48, v46;
	v60 =	vsub.f32 v45, v58  }
0xc5: {  	v61 =	vsub.f32 v44, v59;
	v62 =	vmul.f32 $5.000000000e-01, v39;
	v63 =	vmul.f32 $5.000000000e-01, v30  }
0xc6: {  	v58 =	vadd.f32 v58, v45;
	v59 =	vadd.f32 v59, v44  }
0xc7: {  	v48 =	vsub.f32 v42, v62;
	v52 =	vsub.f32 v40, v63  }
0xc8: {  	v57 =	vadd.f32 v62, v42;
	v50 =	vadd.f32 v63, v40  }
0xc9: {  	v1 =	vsub.f32 v58, v60;
	v2 =	vsub.f32 v59, v61  }
0xca: {  	v62 =	vsub.f32 v57, v48;
	v63 =	vsub.f32 v50, v52;
	v3 =	vmin.f32 v57, v58  }
0xcb: {  	v4 =	vmax.f32 v48, v60;
	v6 =	vmin.f32 v50, v59;
	v7 =	vmax.f32 v52, v61  }
0xcc: {  	v49 =	vmax.f32 v49, v53;
	v3 =	vsub.f32 v3, v4;
	v4 =	vsub.f32 v6, v7  }
0xcd: {  	v1 =	vmul.f32 v2, v1;
	v6 =	vmin.f32 v47, v51;
	v7 =	vmul.f32 v63, v62  }
0xce: {  	v2 =	vsub.f32 v49, v6;
	v3 =	vmax.f32 v3, $0.0e+00;
	v4 =	vmax.f32 v4, $0.0e+00  }
0xcf: {  	v3 =	vmul.f32 v4, v3;
	v1 =	vadd.f32 v1, v7  }
0xd0: {  	v2 =	vmul.f32 v2, v46  }
0xd1: {  	v1 =	vsub.f32 v1, v3  }
0xd2: {  	(erf) = vrcp.f32 v2  }
0xd3: {  	(erf) = vrcp.f32 v1;
	_ =	sdelay $0x4  }
0xd4: {  	v7 =	vadd.s32 $0x300, v43  }
0xd5: {  	v4 =	vadd.s32 $0x180, v43;
	v7 =	vand.u32 $0x780, v7  }
0xd6: {  	v6 =	vand.u32 $0x7F, v43;
	v4 =	vand.u32 $0x380, v4  }
0xd7: {  	v4 =	vor.u32 v6, v4;
	v46 =	vpop (erf)  }
0xd8: {  	v53 =	vld [tilespmem:$0x5D0];
	v6 =	vor.u32 v6, v7;
	v7 =	vpop (erf)  }
0xd9: {  	v3 =	vmul.f32 v7, v3;
	_ =	sdelay $0x1  }
0xda: {  	[tilespmem:v43+s9+$0x0] =	vst.idx.msk $0xffff, v5;
	v3 =	vmax.f32 v3, $0.0e+00  }
0xdb: {  	[tilespmem:v4+s9+$0x0] =	vst.idx.msk $0xffff, v3  }
0xdc: {  	[tilespmem:v6+s9+$0x0] =	vst.idx.msk $0xffff, v53  }
0xdd: {  	v4 =	vld [tilespmem:$0x5A8];
	_ =	sdelay $0x4  }
0xde: {  	v4 =	vtrunc.f32 v4  }
0xdf: {  	v4 =	vcvt.f32.s32 v4  }
0xe0: {  	v7 =	vsub.f32 v25, v27;
	v6 =	vsub.f32 v24, v26  }
0xe1: {  	v20 =	vsub.f32 v20, v22;
	vm1 =	vgt.s32 v4, $0x0  }
0xe2: {  	v7 =	vand.u32 $0x7FFFFFFF, v7;
	v6 =	vand.u32 $0x7FFFFFFF, v6;
	v4 =	vnsel vm1, $0x0, v4  }
0xe3: {  	v47 =	vsub.f32 v54, v28;
	v6 =	vadd.f32 v7, v6;
	v43 =	vmin.u32 v4, $0x12B  }
0xe4: {  	v20 =	vand.u32 $0x7FFFFFFF, v20;
	v18 =	vsub.f32 v18, v19;
	v62 =	vadd.s32 $0x258, v43  }
0xe5: {  	v19 =	vmul.f32 v47, v56;
	v25 =	vld.idx.msk [tilespmem:v17+s2+$0x0], $0xffff;
	v6 =	vadd.f32 v20, v6;
	v63 =	vadd.s32 $0x384, v43  }
0xe6: {  	v18 =	vand.u32 $0x7FFFFFFF, v18;
	v32 =	vsub.f32 v32, v33;
	v28 =	vld.idx.msk [tilespmem:v15+s2+$0x0], $0xffff  }
0xe7: {  	v6 =	vadd.f32 v18, v6;
	v18 =	vsub.f32 v19, v29;
	v19 =	vld.idx.msk [tilespmem:v16+s2+$0x0], $0xffff;
	v4 =	vadd.s32 $0x12C, v43  }
0xe8: {  	v21 =	vsub.f32 v21, v23;
	v2 =	vsub.f32 v2, v55;
	v29 =	vld.idx.msk [tilespmem:v14+s2+$0x0], $0xffff  }
0xe9: {  	v51 =	vmin.f32 v48, v60;
	v24 =	vsub.f32 v35, v38;
	v26 =	vsub.f32 v34, v37;
	v20 =	vld.idx.msk [tilespmem:v62+s2+$0x0], $0xffff  }
0xea: {  	v54 =	vmax.f32 v50, v59;
	v49 =	vmax.f32 v57, v58;
	v55 =	vmin.f32 v52, v61;
	v22 =	vld.idx.msk [tilespmem:v63+s2+$0x0], $0xffff  }
0xeb: {  	v2 =	vmul.f32 v2, v46;
	v24 =	vand.u32 $0x7FFFFFFF, v24;
	v26 =	vand.u32 $0x7FFFFFFF, v26;
	v7 =	vld.idx.msk [tilespmem:v43+s2+$0x0], $0xffff  }
0xec: {  	v27 =	vsub.f32 v49, v51;
	v24 =	vadd.f32 v26, v24;
	v58 =	vmul.f32 $5.000000000e-01, v25;
	v4 =	vld.idx.msk [tilespmem:v4+s2+$0x0], $0xffff  }
0xed: {  	v32 =	vand.u32 $0x7FFFFFFF, v32;
	v2 =	vsub.f32 v2, v36;
	v34 =	vsub.f32 v54, v55  }
0xee: {  	v24 =	vadd.f32 v32, v24;
	v50 =	vsub.f32 v28, v58;
	v57 =	vmul.f32 $5.000000000e-01, v19  }
0xef: {  	v46 =	vadd.f32 v58, v28;
	v53 =	vmul.f32 $5.000000000e-01, v20;
	v56 =	vmul.f32 $5.000000000e-01, v22  }
0xf0: {  	v49 =	vsub.f32 v29, v57;
	v38 =	vadd.f32 v57, v29  }
0xf1: {  	v27 =	vmul.f32 v34, v27;
	v35 =	vsub.f32 v7, v53;
	v47 =	vsub.f32 v4, v56  }
0xf2: {  	v33 =	vadd.f32 v53, v7;
	v37 =	vadd.f32 v56, v4  }
0xf3: {  	(erf) = vrcp.f32 v27;
	v61 =	vsub.f32 v46, v50;
	v60 =	vsub.f32 v38, v49  }
0xf4: {  	v48 =	vsub.f32 v33, v35;
	v59 =	vsub.f32 v37, v47;
	v62 =	vmin.f32 v33, v38  }
0xf5: {  	v63 =	vmax.f32 v35, v49;
	v57 =	vmin.f32 v37, v46;
	v58 =	vmax.f32 v47, v50  }
0xf6: {  	v60 =	vmul.f32 v61, v60;
	v53 =	vsub.f32 v62, v63;
	v54 =	vsub.f32 v57, v58  }
0xf7: {  	v49 =	vmin.f32 v35, v49;
	v51 =	vmax.f32 v37, v46;
	v59 =	vmul.f32 v59, v48  }
0xf8: {  	v52 =	vmin.f32 v47, v50;
	v61 =	vmax.f32 v53, $0.0e+00;
	v62 =	vmax.f32 v54, $0.0e+00  }
0xf9: {  	v48 =	vmax.f32 v33, v38;
	v63 =	vmul.f32 v62, v61;
	v26 =	vadd.f32 v60, v59  }
0xfa: {  	v32 =	vsub.f32 v48, v49;
	v53 =	vsub.f32 v51, v52  }
0xfb: {  	v18 =	vadd.f32 $1.000000000e+00, v18;
	v26 =	vsub.f32 v26, v63  }
0xfc: {  	v21 =	vand.u32 $0x7FFFFFFF, v21;
	v2 =	vadd.f32 $1.000000000e+00, v2;
	v32 =	vmul.f32 v53, v32  }
0xfd: {  	v6 =	vmul.f32 $5.000000000e+00, v6;
	v18 =	vadd.f32 v18, v18;
	(erf) = vrcp.f32 v26  }
0xfe: {  	v55 =	vsub.f32 v40, v44;
	v2 =	vadd.f32 v2, v2;
	(erf) = vrcp.f32 v32  }
0xff: {  	v6 =	vadd.f32 v18, v6;
	v18 =	vadd.f32 v21, v24  }
0x100: {  	v1 =	vsub.f32 v27, v1;
	v4 =	vsub.f32 v4, v28  }
0x101: {  	v18 =	vmul.f32 $5.000000000e+00, v18;
	v22 =	vsub.f32 v22, v25;
	v54 =	vsub.f32 v42, v45  }
0x102: {  	v56 =	vsub.f32 v39, v41;
	v7 =	vsub.f32 v7, v29;
	v4 =	vand.u32 $0x7FFFFFFF, v4;
	v57 =	vpop (erf)  }
0x103: {  	v33 =	vand.u32 $0x7FFFFFFF, v55;
	v1 =	vmul.f32 v1, v57;
	v27 =	vand.u32 $0x7FFFFFFF, v54  }
0x104: {  	v58 =	vand.u32 $0x7FFFFFFF, v56;
	v59 =	vsub.f32 v30, v31;
	v27 =	vadd.f32 v33, v27  }
0x105: {  	v1 =	vsub.f32 v1, v3;
	v3 =	vand.u32 $0x7FFFFFFF, v7;
	v7 =	vsub.f32 v20, v19  }
0x106: {  	v60 =	vand.u32 $0x7FFFFFFF, v59;
	v3 =	vadd.f32 v4, v3;
	v61 =	vsub.f32 v32, v26;
	v19 =	vpop (erf)  }
0x107: {  	v21 =	vadd.f32 v58, v27;
	v7 =	vand.u32 $0x7FFFFFFF, v7;
	v4 =	vmul.f32 v19, v63;
	v19 =	vpop (erf)  }
0x108: {  	v1 =	vadd.f32 $1.000000000e+00, v1;
	v3 =	vadd.f32 v7, v3;
	v19 =	vmul.f32 v61, v19  }
0x109: {  	v7 =	vand.u32 $0x7FFFFFFF, v22;
	v20 =	vadd.f32 v60, v21;
	v4 =	vmax.f32 v4, $0.0e+00  }
0x10a: {  	v3 =	vadd.f32 v7, v3;
	v7 =	vsub.f32 v19, v4  }
0x10b: {  	v2 =	vadd.f32 v2, v18;
	v62 =	vand.u32 $0x7F, v43;
	v1 =	vadd.f32 v1, v1  }
0x10c: {  	v18 =	vmul.f32 $5.000000000e+00, v20;
	v19 =	vadd.s32 $0x180, v43;
	v7 =	vadd.f32 $1.000000000e+00, v7  }
0x10d: {  	v3 =	vmul.f32 $5.000000000e+00, v3;
	v63 =	vadd.s32 $0x300, v43;
	v19 =	vand.u32 $0x380, v19  }
0x10e: {  	v21 =	vand.u32 $0x780, v63;
	v19 =	vor.u32 v62, v19;
	v7 =	vadd.f32 v7, v7  }
0x10f: {  	v2 =	vadd.f32 v2, v6;
	v6 =	vld [tilespmem:$0x5E0];
	v1 =	vadd.f32 v1, v18;
	v18 =	vor.u32 v62, v21  }
0x110: {  	v3 =	vadd.f32 v7, v3  }
0x111: {  	v1 =	vadd.f32 v1, v2  }
0x112: {  	[tilespmem:v43+s9+$0x0] =	vst.idx.msk $0x3, v5;
	v2 =	vnsel vm0, $0x0, v3  }
0x113: {  	[tilespmem:v19+s9+$0x0] =	vst.idx.msk $0x3, v4;
	v1 =	vadd.f32 v2, v1  }
0x114: {  	p0 =	sne.s32 s5, $0x1;
	[tilespmem:v18+s9+$0x0] =	vst.idx.msk $0x3, v6  }
.Ltmp0:
0x115: {  	[tilespmem:$0xA80] =	vst v1;
	(pc) =	sbr.rel @p0 .LBB2_1-.Ltmp0, $4  }
0x116: {  	[hbm4b:s4+s6] =	stream.strided.scatter [tilespmem:s9], [sflag:$0x1], $0x500, s7, s6, $0x38;
	[tilespmem:$0xB00] =	vst v63  }
0x117: {  	_ =	swait.ge [sflag:s8], $0x500  }
0x118: {  	[sflag:s8] =	ssyncset.done $0x0  }
0x119: {  	s5 =	sadd.s32 $0xFFFFFFFF, s5;
	[sflag:s8] =	ssyncadd.s32 $0xFFFFFB00  }
0x11a: {  	_ =	sfence.sel $0x180000  }
0x11b: {  	[bflag:$0x0] =	sbarrier.arrive $0xFFFF  }
0x11c: {  	p0 =	sne.s32 s1, $0x0;
	_ =	strace $0x90000047  }
0x11d: {  	s0 =	sadd.s32 @!p0 $0x100000, s0;
	[bflag:$0x2] =	sbarrier.arrive $0xFFFF  }
0x11e: {  	[sflag:s0] =	ssyncadd.tile.s32 @!p0 $0x1;
	_ =	shalt  }
.Lfunc_end2:
_tile_overlayer_lowered:
.L_overlay_start_2:
0x11f: {  	(tag) =	ssettag $0x2  }
0x120: {  	s0 =	rddreg [dreg:$0x0];
	s2 =	stileid.u32  }
0x121: {  	s1 =	rddreg [dreg:$0x1];
	p0 =	sne.s32 s2, $0x0  }
0x122: {  	s3 =	rddreg [dreg:$0x2];
	[bflag:$0x3] =	sbarrier.arrive $0xFFFF;
	s2 =	simm.s32 @!p0 $0x1C02  }
0x123: {  	[timem:s3], [sflag:s2] =	dma.local @!p0 [hbm:s0], s1  }
0x124: {  	s0 =	simm.s32 @!p0 $0x2  }
0x125: {  	_ =	swait.ge @!p0 [sflag:s0], s1  }
0x126: {  	s1 =	ssub.s32 @!p0 $0x0, s1;
	[sflag:s0] =	ssyncset.done @!p0 $0x0  }
0x127: {  	[sflag:s0] =	ssyncadd.s32 @!p0 s1  }
0x128: {  	[bflag:$0x3] =	sbarrier.arrive $0xFFFF  }
0x129: {  	_ =	shalt  }

</sc_bundles>
